<compile_context>
chip_gen: v7x
topology: tpu7x:2x2x1
jax: 0.10.2.dev20260603
libtpu: 0.0.44.dev20260713+nightly
codegen_flags: <defaults>
</compile_context>

<pallas_src>
import functools

import jax
import jax.numpy as jnp
from jax import lax
from jax.experimental import pallas as pl
from jax.experimental.pallas import tpu as pltpu
from jax.experimental.pallas import tpu_sc as plsc


B, P, C = 32, 24564, 21
CP = 2048
PPAD = 24576
NCHUNK = PPAD // CP
NSC0 = 10
PSPLIT = NSC0 * CP
LN2 = 0.6931471805599453


def _log16(s):
    bits = lax.bitcast_convert_type(s, jnp.int32)
    e = jnp.right_shift(bits, 23) - 127
    m = lax.bitcast_convert_type((bits & 0x007FFFFF) | 0x3F800000,
                                 jnp.float32)
    r = (m - 1.0) / (m + 1.0)
    r2 = r * r
    p = 1.0 + r2 * ((1.0 / 3.0) + r2 * ((1.0 / 5.0) + r2 * (1.0 / 7.0)))
    return e.astype(jnp.float32) * LN2 + 2.0 * r * p


def _make_sc_kernel():
    mesh = plsc.VectorSubcoreMesh(core_axis_name="c", subcore_axis_name="s")

    @functools.partial(
        pl.kernel,
        mesh=mesh,
        out_type=jax.ShapeDtypeStruct((B, 4, 16), jnp.float32),
        scratch_types=[
            pltpu.VMEM((C, CP), jnp.float32),
            pltpu.VMEM((CP,), jnp.int32),
            pltpu.VMEM((4, CP), jnp.float32),
            pltpu.VMEM((4, CP), jnp.float32),
            pltpu.VMEM((4, 16), jnp.float32),
        ],
    )
    def sc_kernel(conf_hbm, t_hbm, ld_hbm, lt_hbm, out_hbm,
                  conf_v, t_v, ld_v, lt_v, res_v):
        w = lax.axis_index("s") * 2 + lax.axis_index("c")

        lanes = lax.iota(jnp.int32, 16)
        zeros = jnp.zeros((16,), jnp.float32)

        def chunk_body(cc, carry):
            pltpu.sync_copy(conf_hbm.at[w, :, pl.ds(cc * CP, CP)], conf_v)
            pltpu.sync_copy(t_hbm.at[w, pl.ds(cc * CP, CP)], t_v)
            pltpu.sync_copy(ld_hbm.at[w, :, pl.ds(cc * CP, CP)], ld_v)
            pltpu.sync_copy(lt_hbm.at[w, :, pl.ds(cc * CP, CP)], lt_v)
            rem0 = P - cc * CP

            def group_body(g, carry):
                s_lse, s_g, s_pos, s_sl1 = carry
                base = g * 16

                t = t_v[pl.ds(base, 16)]
                acc = zeros
                gval = zeros
                for c in range(C):
                    v = conf_v[c, pl.ds(base, 16)]
                    acc = acc + jnp.exp(v)
                    gval = jnp.where(t == c, v, gval)
                acc = jnp.where(lanes < rem0 - base, acc, 1.0)
                lse = _log16(acc)

                posf = jnp.where(t > 0, 1.0, 0.0)

                sl1s = zeros
                for j in range(4):
                    dv = ld_v[j, pl.ds(base, 16)] - lt_v[j, pl.ds(base, 16)]
                    ad = jnp.abs(dv)
                    sl1s = sl1s + jnp.where(ad < 1.0, 0.5 * ad * ad, ad - 0.5)

                return (s_lse + lse,
                        s_g + gval,
                        s_pos + posf,
                        s_sl1 + sl1s * posf)

            return lax.fori_loop(0, CP // 16, group_body, carry)

        carry = (zeros, zeros, zeros, zeros)
        carry = lax.fori_loop(NSC0, NCHUNK, chunk_body, carry)

        s_lse, s_g, s_pos, s_sl1 = carry
        res_v[0, :] = s_lse
        res_v[1, :] = s_g
        res_v[2, :] = s_pos
        res_v[3, :] = s_sl1
        pltpu.sync_copy(res_v, out_hbm.at[w])

    return sc_kernel


_sc_kernel = _make_sc_kernel()


def _tc_body(conf_ref, t_ref, ld_ref, lt_ref, o_lse, o_gath, o_pos, o_sl1):
    i = pl.program_id(0)

    @pl.when(i == 0)
    def _init():
        o_lse[...] = jnp.zeros_like(o_lse)
        o_gath[...] = jnp.zeros_like(o_gath)
        o_pos[...] = jnp.zeros_like(o_pos)
        o_sl1[...] = jnp.zeros_like(o_sl1)

    x = conf_ref[0]
    s = jnp.sum(jnp.exp(x), axis=0, keepdims=True)
    lse = jnp.log(s)

    t = t_ref[pl.ds(i, 1), :]
    onehot = jax.lax.broadcasted_iota(jnp.int32, (C, PSPLIT), 0) == t
    gath = jnp.sum(jnp.where(onehot, x, 0.0), axis=0, keepdims=True)

    posf = (t > 0).astype(jnp.float32)

    d = ld_ref[0] - lt_ref[0]
    ad = jnp.abs(d)
    sl1 = jnp.where(ad < 1.0, 0.5 * ad * ad, ad - 0.5)
    sl1_row = jnp.sum(sl1, axis=0, keepdims=True) * posf

    o_lse[...] += jnp.sum(lse).reshape(1, 1)
    o_gath[...] += jnp.sum(gath).reshape(1, 1)
    o_pos[...] += jnp.sum(posf).reshape(1, 1)
    o_sl1[...] += jnp.sum(sl1_row).reshape(1, 1)


@jax.jit
def kernel(conf_data, loc_data, conf_t, loc_t):
    pad = ((0, 0), (0, 0), (0, PPAD - P))
    confT = jnp.pad(conf_data.transpose(0, 2, 1), pad)
    ldT = jnp.pad(loc_data.transpose(0, 2, 1), pad)
    ltT = jnp.pad(loc_t.transpose(0, 2, 1), pad)
    t2 = jnp.pad(conf_t.astype(jnp.int32), ((0, 0), (0, PPAD - P)))

    sc_out = _sc_kernel(confT, t2, ldT, ltT)

    scalar = jax.ShapeDtypeStruct((1, 1), jnp.float32)
    tc_out = pl.pallas_call(
        _tc_body,
        grid=(B,),
        in_specs=[
            pl.BlockSpec((1, C, PSPLIT), lambda i: (i, 0, 0)),
            pl.BlockSpec((B, PSPLIT), lambda i: (0, 0)),
            pl.BlockSpec((1, 4, PSPLIT), lambda i: (i, 0, 0)),
            pl.BlockSpec((1, 4, PSPLIT), lambda i: (i, 0, 0)),
        ],
        out_specs=[
            pl.BlockSpec((1, 1), lambda i: (0, 0)),
            pl.BlockSpec((1, 1), lambda i: (0, 0)),
            pl.BlockSpec((1, 1), lambda i: (0, 0)),
            pl.BlockSpec((1, 1), lambda i: (0, 0)),
        ],
        out_shape=[scalar, scalar, scalar, scalar],
    )(confT, t2, ldT, ltT)

    sc_sums = jnp.sum(sc_out, axis=(0, 2))
    sum_lse = tc_out[0][0, 0] + sc_sums[0]
    sum_gath = tc_out[1][0, 0] + sc_sums[1]
    n = tc_out[2][0, 0] + sc_sums[2]
    sum_sl1 = tc_out[3][0, 0] + sc_sums[3]
    return ((sum_lse - sum_gath) / n, sum_sl1 / n)

# --- scband reference (transcript-rebuilt; emitter-appended) ---
"""Pipeline reference for scband-multi-box-loss-76828374991091 (READ-ONLY COPY).

The authoritative reference and input builder live on the scoring server;
editing this copy changes nothing except your own understanding.
"""

import jax, jax.numpy as jnp
import numpy as np

B, P, C = 32, 24564, 21

def setup_inputs(seed: int = 0) -> dict:
    key = jax.random.key(seed)
    k1, k2, k3, k4 = jax.random.split(key, 4)
    conf_data = jax.random.normal(k1, (B, P, C), dtype=jnp.float32)
    loc_data = jax.random.normal(k2, (B, P, 4), dtype=jnp.float32)
    conf_t = jax.random.randint(k3, (B, P), 0, C, dtype=jnp.int64 if jax.config.jax_enable_x64 else jnp.int32)
    loc_t = jax.random.normal(k4, (B, P, 4), dtype=jnp.float32)
    return {"conf_data": conf_data, "loc_data": loc_data, "conf_t": conf_t, "loc_t": loc_t}

def reference(conf_data, loc_data, conf_t, loc_t):
    num, num_priors, num_classes = conf_data.shape
    pos = conf_t > 0
    # localization loss: smooth L1 over positive priors (sum reduction)
    d = loc_data - loc_t
    ad = jnp.abs(d)
    sl1 = jnp.where(ad < 1.0, 0.5 * ad * ad, ad - 0.5)
    loss_l = jnp.sum(sl1 * pos[..., None].astype(sl1.dtype))
    # per-prior confidence loss for hard negative mining
    batch_conf = conf_data.reshape(-1, num_classes)
    lse = jax.nn.logsumexp(batch_conf, axis=1)
    gathered = jnp.take_along_axis(batch_conf, conf_t.reshape(-1, 1), axis=1)[:, 0]
    lc = lse - gathered
    lc = jnp.where(pos.reshape(-1), 0.0, lc)
    lc = lc.reshape(num, num_priors)
    # hard negative mining: rank negatives by loss, keep top negpos_ratio*num_pos
    loss_idx = jnp.argsort(-lc, axis=1)
    idx_rank = jnp.argsort(loss_idx, axis=1)
    num_pos = jnp.sum(pos.astype(jnp.int32), axis=1, keepdims=True)
    num_neg = jnp.minimum(3 * num_pos, num_priors - 1)
    neg = idx_rank < num_neg
    sel = jnp.logical_or(pos, neg)
    # cross entropy (sum) over selected priors
    lse_full = jax.nn.logsumexp(conf_data, axis=2)
    gath_full = jnp.take_along_axis(conf_data, conf_t[..., None], axis=2)[..., 0]
    ce = lse_full - gath_full
    loss_c = jnp.sum(ce * sel.astype(ce.dtype))
    N = jnp.sum(num_pos).astype(jnp.float32)
    return (loss_c / N, loss_l / N)

if __name__ == "__main__":
    import jax
    _d = setup_inputs()
    print(jax.jit(kernel)(*tuple(_d.values())))

</pallas_src>

<mosaic_0001>
#map = affine_map<(d0, d1) -> (0, 0, 0)>
#map1 = affine_map<(d0, d1) -> (0, 0)>
module attributes {stable_mosaic.version = 14 : i64} {
  func.func @sc_kernel(%arg0: i32, %arg1: i32, %arg2: memref<32x21x24576xf32, #tpu.memory_space<hbm>>, %arg3: memref<32x24576xi32, #tpu.memory_space<hbm>>, %arg4: memref<32x4x24576xf32, #tpu.memory_space<hbm>>, %arg5: memref<32x4x24576xf32, #tpu.memory_space<hbm>>, %arg6: memref<32x4x16xf32, #tpu.memory_space<hbm>>, %arg7: memref<21x2048xf32, #tpu.memory_space<vmem>>, %arg8: memref<2048xi32, #tpu.memory_space<vmem>>, %arg9: memref<4x2048xf32, #tpu.memory_space<vmem>>, %arg10: memref<4x2048xf32, #tpu.memory_space<vmem>>, %arg11: memref<4x16xf32, #tpu.memory_space<vmem>>) attributes {dimension_semantics = [#tpu.dimension_semantics<core_parallel>, #tpu.dimension_semantics<subcore_parallel>], iteration_bounds = array<i64: 2, 16>, scalar_prefetch = 0 : i64, scratch_operands = 5 : i64, tpu.core_type = #tpu.core_type<sc_vector_subcore>, window_params = [{transform_indices = #map}, {transform_indices = #map1}, {transform_indices = #map}, {transform_indices = #map}, {transform_indices = #map}]} {
    %mul3A = arith.constant 2 : i32
    %mul3A_0 = arith.muli %arg1, %mul3A : i32
    %add3A = arith.addi %mul3A_0, %arg0 : i32
    %iota3A = tpu.iota {dimensions = array<i32: 0>} : vector<16xi32>
    %broadcast_in_dim3A = arith.constant 0.000000e+00 : f32
    %broadcast_in_dim3A_1 = vector.broadcast %broadcast_in_dim3A : f32 to vector<16xf32>
    %scan3A = arith.constant 10 : i32
    %scan3A_2 = arith.constant 2 : i32
    %scan3A_3 = arith.addi %scan3A, %scan3A_2 : i32
    %scan3A_4 = arith.constant 1 : i32
    %scan3A_5:4 = scf.for %scan3A_30 = %scan3A to %scan3A_3 step %scan3A_4 iter_args(%scan3A_31 = %broadcast_in_dim3A_1, %scan3A_32 = %broadcast_in_dim3A_1, %scan3A_33 = %broadcast_in_dim3A_1, %scan3A_34 = %broadcast_in_dim3A_1) -> (vector<16xf32>, vector<16xf32>, vector<16xf32>, vector<16xf32>)  : i32 {
      %mul3A_35 = arith.constant 2048 : i32
      %mul3A_36 = arith.muli %scan3A_30, %mul3A_35 : i32
      "tpu.region"() ({
        %run_scoped3A = tpu.sem_alloc : memref<!tpu.dma_semaphore, #tpu.memory_space<semaphore_mem>>
        %dma_start3A = arith.constant 0 : i32
        %dma_start3A_52 = tpu.memref_slice %arg2[%add3A, %dma_start3A, %mul3A_36] : memref<32x21x24576xf32, #tpu.memory_space<hbm>> -> memref<1x21x2048xf32, #tpu.memory_space<hbm>>
        %dma_start3A_53 = tpu.memref_squeeze %dma_start3A_52 : memref<1x21x2048xf32, #tpu.memory_space<hbm>> -> memref<21x2048xf32, #tpu.memory_space<hbm>>
        %dma_start3A_54 = arith.constant 0 : i32
        %dma_start3A_55 = tpu.memref_slice %arg2[%add3A, %dma_start3A_54, %mul3A_36] : memref<32x21x24576xf32, #tpu.memory_space<hbm>> -> memref<1x21x2048xf32, #tpu.memory_space<hbm>>
        %dma_start3A_56 = tpu.memref_squeeze %dma_start3A_55 : memref<1x21x2048xf32, #tpu.memory_space<hbm>> -> memref<21x2048xf32, #tpu.memory_space<hbm>>
        tpu.enqueue_dma source(%dma_start3A_56 : memref<21x2048xf32, #tpu.memory_space<hbm>>) target(%arg7 : memref<21x2048xf32, #tpu.memory_space<vmem>>) target_semaphore(%run_scoped3A : memref<!tpu.dma_semaphore, #tpu.memory_space<semaphore_mem>>)
        %dma_wait3A = arith.constant 0 : i32
        %dma_wait3A_57 = tpu.memref_slice %arg2[%add3A, %dma_wait3A, %mul3A_36] : memref<32x21x24576xf32, #tpu.memory_space<hbm>> -> memref<1x21x2048xf32, #tpu.memory_space<hbm>>
        %dma_wait3A_58 = tpu.memref_squeeze %dma_wait3A_57 : memref<1x21x2048xf32, #tpu.memory_space<hbm>> -> memref<21x2048xf32, #tpu.memory_space<hbm>>
        %dma_wait3A_59 = arith.constant 0 : i32
        %dma_wait3A_60 = tpu.memref_slice %arg2[%add3A, %dma_wait3A_59, %mul3A_36] : memref<32x21x24576xf32, #tpu.memory_space<hbm>> -> memref<1x21x2048xf32, #tpu.memory_space<hbm>>
        %dma_wait3A_61 = tpu.memref_squeeze %dma_wait3A_60 : memref<1x21x2048xf32, #tpu.memory_space<hbm>> -> memref<21x2048xf32, #tpu.memory_space<hbm>>
        tpu.wait_dma2 semaphore(%run_scoped3A : memref<!tpu.dma_semaphore, #tpu.memory_space<semaphore_mem>>) src(%dma_wait3A_61 : memref<21x2048xf32, #tpu.memory_space<hbm>>) dst(%arg7 : memref<21x2048xf32, #tpu.memory_space<vmem>>)
        tpu.yield
      }) : () -> ()
      %mul3A_37 = arith.constant 2048 : i32
      %mul3A_38 = arith.muli %scan3A_30, %mul3A_37 : i32
      "tpu.region"() ({
        %run_scoped3A = tpu.sem_alloc : memref<!tpu.dma_semaphore, #tpu.memory_space<semaphore_mem>>
        %dma_start3A = tpu.memref_slice %arg3[%add3A, %mul3A_38] : memref<32x24576xi32, #tpu.memory_space<hbm>> -> memref<1x2048xi32, #tpu.memory_space<hbm>>
        %dma_start3A_52 = tpu.memref_squeeze %dma_start3A : memref<1x2048xi32, #tpu.memory_space<hbm>> -> memref<2048xi32, #tpu.memory_space<hbm>>
        %dma_start3A_53 = tpu.memref_slice %arg3[%add3A, %mul3A_38] : memref<32x24576xi32, #tpu.memory_space<hbm>> -> memref<1x2048xi32, #tpu.memory_space<hbm>>
        %dma_start3A_54 = tpu.memref_squeeze %dma_start3A_53 : memref<1x2048xi32, #tpu.memory_space<hbm>> -> memref<2048xi32, #tpu.memory_space<hbm>>
        tpu.enqueue_dma source(%dma_start3A_54 : memref<2048xi32, #tpu.memory_space<hbm>>) target(%arg8 : memref<2048xi32, #tpu.memory_space<vmem>>) target_semaphore(%run_scoped3A : memref<!tpu.dma_semaphore, #tpu.memory_space<semaphore_mem>>)
        %dma_wait3A = tpu.memref_slice %arg3[%add3A, %mul3A_38] : memref<32x24576xi32, #tpu.memory_space<hbm>> -> memref<1x2048xi32, #tpu.memory_space<hbm>>
        %dma_wait3A_55 = tpu.memref_squeeze %dma_wait3A : memref<1x2048xi32, #tpu.memory_space<hbm>> -> memref<2048xi32, #tpu.memory_space<hbm>>
        %dma_wait3A_56 = tpu.memref_slice %arg3[%add3A, %mul3A_38] : memref<32x24576xi32, #tpu.memory_space<hbm>> -> memref<1x2048xi32, #tpu.memory_space<hbm>>
        %dma_wait3A_57 = tpu.memref_squeeze %dma_wait3A_56 : memref<1x2048xi32, #tpu.memory_space<hbm>> -> memref<2048xi32, #tpu.memory_space<hbm>>
        tpu.wait_dma2 semaphore(%run_scoped3A : memref<!tpu.dma_semaphore, #tpu.memory_space<semaphore_mem>>) src(%dma_wait3A_57 : memref<2048xi32, #tpu.memory_space<hbm>>) dst(%arg8 : memref<2048xi32, #tpu.memory_space<vmem>>)
        tpu.yield
      }) : () -> ()
      %mul3A_39 = arith.constant 2048 : i32
      %mul3A_40 = arith.muli %scan3A_30, %mul3A_39 : i32
      "tpu.region"() ({
        %run_scoped3A = tpu.sem_alloc : memref<!tpu.dma_semaphore, #tpu.memory_space<semaphore_mem>>
        %dma_start3A = arith.constant 0 : i32
        %dma_start3A_52 = tpu.memref_slice %arg4[%add3A, %dma_start3A, %mul3A_40] : memref<32x4x24576xf32, #tpu.memory_space<hbm>> -> memref<1x4x2048xf32, #tpu.memory_space<hbm>>
        %dma_start3A_53 = tpu.memref_squeeze %dma_start3A_52 : memref<1x4x2048xf32, #tpu.memory_space<hbm>> -> memref<4x2048xf32, #tpu.memory_space<hbm>>
        %dma_start3A_54 = arith.constant 0 : i32
        %dma_start3A_55 = tpu.memref_slice %arg4[%add3A, %dma_start3A_54, %mul3A_40] : memref<32x4x24576xf32, #tpu.memory_space<hbm>> -> memref<1x4x2048xf32, #tpu.memory_space<hbm>>
        %dma_start3A_56 = tpu.memref_squeeze %dma_start3A_55 : memref<1x4x2048xf32, #tpu.memory_space<hbm>> -> memref<4x2048xf32, #tpu.memory_space<hbm>>
        tpu.enqueue_dma source(%dma_start3A_56 : memref<4x2048xf32, #tpu.memory_space<hbm>>) target(%arg9 : memref<4x2048xf32, #tpu.memory_space<vmem>>) target_semaphore(%run_scoped3A : memref<!tpu.dma_semaphore, #tpu.memory_space<semaphore_mem>>)
        %dma_wait3A = arith.constant 0 : i32
        %dma_wait3A_57 = tpu.memref_slice %arg4[%add3A, %dma_wait3A, %mul3A_40] : memref<32x4x24576xf32, #tpu.memory_space<hbm>> -> memref<1x4x2048xf32, #tpu.memory_space<hbm>>
        %dma_wait3A_58 = tpu.memref_squeeze %dma_wait3A_57 : memref<1x4x2048xf32, #tpu.memory_space<hbm>> -> memref<4x2048xf32, #tpu.memory_space<hbm>>
        %dma_wait3A_59 = arith.constant 0 : i32
        %dma_wait3A_60 = tpu.memref_slice %arg4[%add3A, %dma_wait3A_59, %mul3A_40] : memref<32x4x24576xf32, #tpu.memory_space<hbm>> -> memref<1x4x2048xf32, #tpu.memory_space<hbm>>
        %dma_wait3A_61 = tpu.memref_squeeze %dma_wait3A_60 : memref<1x4x2048xf32, #tpu.memory_space<hbm>> -> memref<4x2048xf32, #tpu.memory_space<hbm>>
        tpu.wait_dma2 semaphore(%run_scoped3A : memref<!tpu.dma_semaphore, #tpu.memory_space<semaphore_mem>>) src(%dma_wait3A_61 : memref<4x2048xf32, #tpu.memory_space<hbm>>) dst(%arg9 : memref<4x2048xf32, #tpu.memory_space<vmem>>)
        tpu.yield
      }) : () -> ()
      %mul3A_41 = arith.constant 2048 : i32
      %mul3A_42 = arith.muli %scan3A_30, %mul3A_41 : i32
      "tpu.region"() ({
        %run_scoped3A = tpu.sem_alloc : memref<!tpu.dma_semaphore, #tpu.memory_space<semaphore_mem>>
        %dma_start3A = arith.constant 0 : i32
        %dma_start3A_52 = tpu.memref_slice %arg5[%add3A, %dma_start3A, %mul3A_42] : memref<32x4x24576xf32, #tpu.memory_space<hbm>> -> memref<1x4x2048xf32, #tpu.memory_space<hbm>>
        %dma_start3A_53 = tpu.memref_squeeze %dma_start3A_52 : memref<1x4x2048xf32, #tpu.memory_space<hbm>> -> memref<4x2048xf32, #tpu.memory_space<hbm>>
        %dma_start3A_54 = arith.constant 0 : i32
        %dma_start3A_55 = tpu.memref_slice %arg5[%add3A, %dma_start3A_54, %mul3A_42] : memref<32x4x24576xf32, #tpu.memory_space<hbm>> -> memref<1x4x2048xf32, #tpu.memory_space<hbm>>
        %dma_start3A_56 = tpu.memref_squeeze %dma_start3A_55 : memref<1x4x2048xf32, #tpu.memory_space<hbm>> -> memref<4x2048xf32, #tpu.memory_space<hbm>>
        tpu.enqueue_dma source(%dma_start3A_56 : memref<4x2048xf32, #tpu.memory_space<hbm>>) target(%arg10 : memref<4x2048xf32, #tpu.memory_space<vmem>>) target_semaphore(%run_scoped3A : memref<!tpu.dma_semaphore, #tpu.memory_space<semaphore_mem>>)
        %dma_wait3A = arith.constant 0 : i32
        %dma_wait3A_57 = tpu.memref_slice %arg5[%add3A, %dma_wait3A, %mul3A_42] : memref<32x4x24576xf32, #tpu.memory_space<hbm>> -> memref<1x4x2048xf32, #tpu.memory_space<hbm>>
        %dma_wait3A_58 = tpu.memref_squeeze %dma_wait3A_57 : memref<1x4x2048xf32, #tpu.memory_space<hbm>> -> memref<4x2048xf32, #tpu.memory_space<hbm>>
        %dma_wait3A_59 = arith.constant 0 : i32
        %dma_wait3A_60 = tpu.memref_slice %arg5[%add3A, %dma_wait3A_59, %mul3A_42] : memref<32x4x24576xf32, #tpu.memory_space<hbm>> -> memref<1x4x2048xf32, #tpu.memory_space<hbm>>
        %dma_wait3A_61 = tpu.memref_squeeze %dma_wait3A_60 : memref<1x4x2048xf32, #tpu.memory_space<hbm>> -> memref<4x2048xf32, #tpu.memory_space<hbm>>
        tpu.wait_dma2 semaphore(%run_scoped3A : memref<!tpu.dma_semaphore, #tpu.memory_space<semaphore_mem>>) src(%dma_wait3A_61 : memref<4x2048xf32, #tpu.memory_space<hbm>>) dst(%arg10 : memref<4x2048xf32, #tpu.memory_space<vmem>>)
        tpu.yield
      }) : () -> ()
      %mul3A_43 = arith.constant 2048 : i32
      %mul3A_44 = arith.muli %scan3A_30, %mul3A_43 : i32
      %sub3A = arith.constant 24564 : i32
      %sub3A_45 = arith.subi %sub3A, %mul3A_44 : i32
      %scan3A_46 = arith.constant 0 : i32
      %scan3A_47 = arith.constant 128 : i32
      %scan3A_48 = arith.addi %scan3A_46, %scan3A_47 : i32
      %scan3A_49 = arith.constant 1 : i32
      %scan3A_50:4 = scf.for %scan3A_52 = %scan3A_46 to %scan3A_48 step %scan3A_49 iter_args(%scan3A_53 = %scan3A_31, %scan3A_54 = %scan3A_32, %scan3A_55 = %scan3A_33, %scan3A_56 = %scan3A_34) -> (vector<16xf32>, vector<16xf32>, vector<16xf32>, vector<16xf32>)  : i32 {
        %mul3A_57 = arith.constant 16 : i32
        %mul3A_58 = arith.muli %scan3A_52, %mul3A_57 : i32
        %get3A = arith.index_cast %mul3A_58 : i32 to index
        %get3A_59 = tpu.vector_load %arg8[%get3A] {strides = array<i32>} : memref<2048xi32, #tpu.memory_space<vmem>>, vector<16xi32>,
        %get3A_60 = vector.shape_cast %get3A_59 : vector<16xi32> to vector<16xi32>
        %get3A_61 = arith.constant 0 : i32
        %get3A_62 = arith.index_cast %get3A_61 : i32 to index
        %get3A_63 = arith.index_cast %mul3A_58 : i32 to index
        %get3A_64 = tpu.vector_load %arg7[%get3A_62, %get3A_63] {strides = array<i32>} : memref<21x2048xf32, #tpu.memory_space<vmem>>, vector<1x16xf32>,
        %get3A_65 = vector.shape_cast %get3A_64 : vector<1x16xf32> to vector<16xf32>
        %exp3A = math.exp %get3A_65 : vector<16xf32>
        %add3A_66 = arith.addf %broadcast_in_dim3A_1, %exp3A : vector<16xf32>
        %eq3A = arith.constant 0 : i32
        %eq3A_67 = vector.broadcast %eq3A : i32 to vector<16xi32>
        %eq3A_68 = arith.cmpi eq, %get3A_60, %eq3A_67 : vector<16xi32>
        %select_n3A = arith.select %eq3A_68, %get3A_65, %broadcast_in_dim3A_1 : vector<16xi1>, vector<16xf32>
        %get3A_69 = arith.constant 1 : i32
        %get3A_70 = arith.index_cast %get3A_69 : i32 to index
        %get3A_71 = arith.index_cast %mul3A_58 : i32 to index
        %get3A_72 = tpu.vector_load %arg7[%get3A_70, %get3A_71] {strides = array<i32>} : memref<21x2048xf32, #tpu.memory_space<vmem>>, vector<1x16xf32>,
        %get3A_73 = vector.shape_cast %get3A_72 : vector<1x16xf32> to vector<16xf32>
        %exp3A_74 = math.exp %get3A_73 : vector<16xf32>
        %add3A_75 = arith.addf %add3A_66, %exp3A_74 : vector<16xf32>
        %eq3A_76 = arith.constant 1 : i32
        %eq3A_77 = vector.broadcast %eq3A_76 : i32 to vector<16xi32>
        %eq3A_78 = arith.cmpi eq, %get3A_60, %eq3A_77 : vector<16xi32>
        %select_n3A_79 = arith.select %eq3A_78, %get3A_73, %select_n3A : vector<16xi1>, vector<16xf32>
        %get3A_80 = arith.constant 2 : i32
        %get3A_81 = arith.index_cast %get3A_80 : i32 to index
        %get3A_82 = arith.index_cast %mul3A_58 : i32 to index
        %get3A_83 = tpu.vector_load %arg7[%get3A_81, %get3A_82] {strides = array<i32>} : memref<21x2048xf32, #tpu.memory_space<vmem>>, vector<1x16xf32>,
        %get3A_84 = vector.shape_cast %get3A_83 : vector<1x16xf32> to vector<16xf32>
        %exp3A_85 = math.exp %get3A_84 : vector<16xf32>
        %add3A_86 = arith.addf %add3A_75, %exp3A_85 : vector<16xf32>
        %eq3A_87 = arith.constant 2 : i32
        %eq3A_88 = vector.broadcast %eq3A_87 : i32 to vector<16xi32>
        %eq3A_89 = arith.cmpi eq, %get3A_60, %eq3A_88 : vector<16xi32>
        %select_n3A_90 = arith.select %eq3A_89, %get3A_84, %select_n3A_79 : vector<16xi1>, vector<16xf32>
        %get3A_91 = arith.constant 3 : i32
        %get3A_92 = arith.index_cast %get3A_91 : i32 to index
        %get3A_93 = arith.index_cast %mul3A_58 : i32 to index
        %get3A_94 = tpu.vector_load %arg7[%get3A_92, %get3A_93] {strides = array<i32>} : memref<21x2048xf32, #tpu.memory_space<vmem>>, vector<1x16xf32>,
        %get3A_95 = vector.shape_cast %get3A_94 : vector<1x16xf32> to vector<16xf32>
        %exp3A_96 = math.exp %get3A_95 : vector<16xf32>
        %add3A_97 = arith.addf %add3A_86, %exp3A_96 : vector<16xf32>
        %eq3A_98 = arith.constant 3 : i32
        %eq3A_99 = vector.broadcast %eq3A_98 : i32 to vector<16xi32>
        %eq3A_100 = arith.cmpi eq, %get3A_60, %eq3A_99 : vector<16xi32>
        %select_n3A_101 = arith.select %eq3A_100, %get3A_95, %select_n3A_90 : vector<16xi1>, vector<16xf32>
        %get3A_102 = arith.constant 4 : i32
        %get3A_103 = arith.index_cast %get3A_102 : i32 to index
        %get3A_104 = arith.index_cast %mul3A_58 : i32 to index
        %get3A_105 = tpu.vector_load %arg7[%get3A_103, %get3A_104] {strides = array<i32>} : memref<21x2048xf32, #tpu.memory_space<vmem>>, vector<1x16xf32>,
        %get3A_106 = vector.shape_cast %get3A_105 : vector<1x16xf32> to vector<16xf32>
        %exp3A_107 = math.exp %get3A_106 : vector<16xf32>
        %add3A_108 = arith.addf %add3A_97, %exp3A_107 : vector<16xf32>
        %eq3A_109 = arith.constant 4 : i32
        %eq3A_110 = vector.broadcast %eq3A_109 : i32 to vector<16xi32>
        %eq3A_111 = arith.cmpi eq, %get3A_60, %eq3A_110 : vector<16xi32>
        %select_n3A_112 = arith.select %eq3A_111, %get3A_106, %select_n3A_101 : vector<16xi1>, vector<16xf32>
        %get3A_113 = arith.constant 5 : i32
        %get3A_114 = arith.index_cast %get3A_113 : i32 to index
        %get3A_115 = arith.index_cast %mul3A_58 : i32 to index
        %get3A_116 = tpu.vector_load %arg7[%get3A_114, %get3A_115] {strides = array<i32>} : memref<21x2048xf32, #tpu.memory_space<vmem>>, vector<1x16xf32>,
        %get3A_117 = vector.shape_cast %get3A_116 : vector<1x16xf32> to vector<16xf32>
        %exp3A_118 = math.exp %get3A_117 : vector<16xf32>
        %add3A_119 = arith.addf %add3A_108, %exp3A_118 : vector<16xf32>
        %eq3A_120 = arith.constant 5 : i32
        %eq3A_121 = vector.broadcast %eq3A_120 : i32 to vector<16xi32>
        %eq3A_122 = arith.cmpi eq, %get3A_60, %eq3A_121 : vector<16xi32>
        %select_n3A_123 = arith.select %eq3A_122, %get3A_117, %select_n3A_112 : vector<16xi1>, vector<16xf32>
        %get3A_124 = arith.constant 6 : i32
        %get3A_125 = arith.index_cast %get3A_124 : i32 to index
        %get3A_126 = arith.index_cast %mul3A_58 : i32 to index
        %get3A_127 = tpu.vector_load %arg7[%get3A_125, %get3A_126] {strides = array<i32>} : memref<21x2048xf32, #tpu.memory_space<vmem>>, vector<1x16xf32>,
        %get3A_128 = vector.shape_cast %get3A_127 : vector<1x16xf32> to vector<16xf32>
        %exp3A_129 = math.exp %get3A_128 : vector<16xf32>
        %add3A_130 = arith.addf %add3A_119, %exp3A_129 : vector<16xf32>
        %eq3A_131 = arith.constant 6 : i32
        %eq3A_132 = vector.broadcast %eq3A_131 : i32 to vector<16xi32>
        %eq3A_133 = arith.cmpi eq, %get3A_60, %eq3A_132 : vector<16xi32>
        %select_n3A_134 = arith.select %eq3A_133, %get3A_128, %select_n3A_123 : vector<16xi1>, vector<16xf32>
        %get3A_135 = arith.constant 7 : i32
        %get3A_136 = arith.index_cast %get3A_135 : i32 to index
        %get3A_137 = arith.index_cast %mul3A_58 : i32 to index
        %get3A_138 = tpu.vector_load %arg7[%get3A_136, %get3A_137] {strides = array<i32>} : memref<21x2048xf32, #tpu.memory_space<vmem>>, vector<1x16xf32>,
        %get3A_139 = vector.shape_cast %get3A_138 : vector<1x16xf32> to vector<16xf32>
        %exp3A_140 = math.exp %get3A_139 : vector<16xf32>
        %add3A_141 = arith.addf %add3A_130, %exp3A_140 : vector<16xf32>
        %eq3A_142 = arith.constant 7 : i32
        %eq3A_143 = vector.broadcast %eq3A_142 : i32 to vector<16xi32>
        %eq3A_144 = arith.cmpi eq, %get3A_60, %eq3A_143 : vector<16xi32>
        %select_n3A_145 = arith.select %eq3A_144, %get3A_139, %select_n3A_134 : vector<16xi1>, vector<16xf32>
        %get3A_146 = arith.constant 8 : i32
        %get3A_147 = arith.index_cast %get3A_146 : i32 to index
        %get3A_148 = arith.index_cast %mul3A_58 : i32 to index
        %get3A_149 = tpu.vector_load %arg7[%get3A_147, %get3A_148] {strides = array<i32>} : memref<21x2048xf32, #tpu.memory_space<vmem>>, vector<1x16xf32>,
        %get3A_150 = vector.shape_cast %get3A_149 : vector<1x16xf32> to vector<16xf32>
        %exp3A_151 = math.exp %get3A_150 : vector<16xf32>
        %add3A_152 = arith.addf %add3A_141, %exp3A_151 : vector<16xf32>
        %eq3A_153 = arith.constant 8 : i32
        %eq3A_154 = vector.broadcast %eq3A_153 : i32 to vector<16xi32>
        %eq3A_155 = arith.cmpi eq, %get3A_60, %eq3A_154 : vector<16xi32>
        %select_n3A_156 = arith.select %eq3A_155, %get3A_150, %select_n3A_145 : vector<16xi1>, vector<16xf32>
        %get3A_157 = arith.constant 9 : i32
        %get3A_158 = arith.index_cast %get3A_157 : i32 to index
        %get3A_159 = arith.index_cast %mul3A_58 : i32 to index
        %get3A_160 = tpu.vector_load %arg7[%get3A_158, %get3A_159] {strides = array<i32>} : memref<21x2048xf32, #tpu.memory_space<vmem>>, vector<1x16xf32>,
        %get3A_161 = vector.shape_cast %get3A_160 : vector<1x16xf32> to vector<16xf32>
        %exp3A_162 = math.exp %get3A_161 : vector<16xf32>
        %add3A_163 = arith.addf %add3A_152, %exp3A_162 : vector<16xf32>
        %eq3A_164 = arith.constant 9 : i32
        %eq3A_165 = vector.broadcast %eq3A_164 : i32 to vector<16xi32>
        %eq3A_166 = arith.cmpi eq, %get3A_60, %eq3A_165 : vector<16xi32>
        %select_n3A_167 = arith.select %eq3A_166, %get3A_161, %select_n3A_156 : vector<16xi1>, vector<16xf32>
        %get3A_168 = arith.constant 10 : i32
        %get3A_169 = arith.index_cast %get3A_168 : i32 to index
        %get3A_170 = arith.index_cast %mul3A_58 : i32 to index
        %get3A_171 = tpu.vector_load %arg7[%get3A_169, %get3A_170] {strides = array<i32>} : memref<21x2048xf32, #tpu.memory_space<vmem>>, vector<1x16xf32>,
        %get3A_172 = vector.shape_cast %get3A_171 : vector<1x16xf32> to vector<16xf32>
        %exp3A_173 = math.exp %get3A_172 : vector<16xf32>
        %add3A_174 = arith.addf %add3A_163, %exp3A_173 : vector<16xf32>
        %eq3A_175 = arith.constant 10 : i32
        %eq3A_176 = vector.broadcast %eq3A_175 : i32 to vector<16xi32>
        %eq3A_177 = arith.cmpi eq, %get3A_60, %eq3A_176 : vector<16xi32>
        %select_n3A_178 = arith.select %eq3A_177, %get3A_172, %select_n3A_167 : vector<16xi1>, vector<16xf32>
        %get3A_179 = arith.constant 11 : i32
        %get3A_180 = arith.index_cast %get3A_179 : i32 to index
        %get3A_181 = arith.index_cast %mul3A_58 : i32 to index
        %get3A_182 = tpu.vector_load %arg7[%get3A_180, %get3A_181] {strides = array<i32>} : memref<21x2048xf32, #tpu.memory_space<vmem>>, vector<1x16xf32>,
        %get3A_183 = vector.shape_cast %get3A_182 : vector<1x16xf32> to vector<16xf32>
        %exp3A_184 = math.exp %get3A_183 : vector<16xf32>
        %add3A_185 = arith.addf %add3A_174, %exp3A_184 : vector<16xf32>
        %eq3A_186 = arith.constant 11 : i32
        %eq3A_187 = vector.broadcast %eq3A_186 : i32 to vector<16xi32>
        %eq3A_188 = arith.cmpi eq, %get3A_60, %eq3A_187 : vector<16xi32>
        %select_n3A_189 = arith.select %eq3A_188, %get3A_183, %select_n3A_178 : vector<16xi1>, vector<16xf32>
        %get3A_190 = arith.constant 12 : i32
        %get3A_191 = arith.index_cast %get3A_190 : i32 to index
        %get3A_192 = arith.index_cast %mul3A_58 : i32 to index
        %get3A_193 = tpu.vector_load %arg7[%get3A_191, %get3A_192] {strides = array<i32>} : memref<21x2048xf32, #tpu.memory_space<vmem>>, vector<1x16xf32>,
        %get3A_194 = vector.shape_cast %get3A_193 : vector<1x16xf32> to vector<16xf32>
        %exp3A_195 = math.exp %get3A_194 : vector<16xf32>
        %add3A_196 = arith.addf %add3A_185, %exp3A_195 : vector<16xf32>
        %eq3A_197 = arith.constant 12 : i32
        %eq3A_198 = vector.broadcast %eq3A_197 : i32 to vector<16xi32>
        %eq3A_199 = arith.cmpi eq, %get3A_60, %eq3A_198 : vector<16xi32>
        %select_n3A_200 = arith.select %eq3A_199, %get3A_194, %select_n3A_189 : vector<16xi1>, vector<16xf32>
        %get3A_201 = arith.constant 13 : i32
        %get3A_202 = arith.index_cast %get3A_201 : i32 to index
        %get3A_203 = arith.index_cast %mul3A_58 : i32 to index
        %get3A_204 = tpu.vector_load %arg7[%get3A_202, %get3A_203] {strides = array<i32>} : memref<21x2048xf32, #tpu.memory_space<vmem>>, vector<1x16xf32>,
        %get3A_205 = vector.shape_cast %get3A_204 : vector<1x16xf32> to vector<16xf32>
        %exp3A_206 = math.exp %get3A_205 : vector<16xf32>
        %add3A_207 = arith.addf %add3A_196, %exp3A_206 : vector<16xf32>
        %eq3A_208 = arith.constant 13 : i32
        %eq3A_209 = vector.broadcast %eq3A_208 : i32 to vector<16xi32>
        %eq3A_210 = arith.cmpi eq, %get3A_60, %eq3A_209 : vector<16xi32>
        %select_n3A_211 = arith.select %eq3A_210, %get3A_205, %select_n3A_200 : vector<16xi1>, vector<16xf32>
        %get3A_212 = arith.constant 14 : i32
        %get3A_213 = arith.index_cast %get3A_212 : i32 to index
        %get3A_214 = arith.index_cast %mul3A_58 : i32 to index
        %get3A_215 = tpu.vector_load %arg7[%get3A_213, %get3A_214] {strides = array<i32>} : memref<21x2048xf32, #tpu.memory_space<vmem>>, vector<1x16xf32>,
        %get3A_216 = vector.shape_cast %get3A_215 : vector<1x16xf32> to vector<16xf32>
        %exp3A_217 = math.exp %get3A_216 : vector<16xf32>
        %add3A_218 = arith.addf %add3A_207, %exp3A_217 : vector<16xf32>
        %eq3A_219 = arith.constant 14 : i32
        %eq3A_220 = vector.broadcast %eq3A_219 : i32 to vector<16xi32>
        %eq3A_221 = arith.cmpi eq, %get3A_60, %eq3A_220 : vector<16xi32>
        %select_n3A_222 = arith.select %eq3A_221, %get3A_216, %select_n3A_211 : vector<16xi1>, vector<16xf32>
        %get3A_223 = arith.constant 15 : i32
        %get3A_224 = arith.index_cast %get3A_223 : i32 to index
        %get3A_225 = arith.index_cast %mul3A_58 : i32 to index
        %get3A_226 = tpu.vector_load %arg7[%get3A_224, %get3A_225] {strides = array<i32>} : memref<21x2048xf32, #tpu.memory_space<vmem>>, vector<1x16xf32>,
        %get3A_227 = vector.shape_cast %get3A_226 : vector<1x16xf32> to vector<16xf32>
        %exp3A_228 = math.exp %get3A_227 : vector<16xf32>
        %add3A_229 = arith.addf %add3A_218, %exp3A_228 : vector<16xf32>
        %eq3A_230 = arith.constant 15 : i32
        %eq3A_231 = vector.broadcast %eq3A_230 : i32 to vector<16xi32>
        %eq3A_232 = arith.cmpi eq, %get3A_60, %eq3A_231 : vector<16xi32>
        %select_n3A_233 = arith.select %eq3A_232, %get3A_227, %select_n3A_222 : vector<16xi1>, vector<16xf32>
        %get3A_234 = arith.constant 16 : i32
        %get3A_235 = arith.index_cast %get3A_234 : i32 to index
        %get3A_236 = arith.index_cast %mul3A_58 : i32 to index
        %get3A_237 = tpu.vector_load %arg7[%get3A_235, %get3A_236] {strides = array<i32>} : memref<21x2048xf32, #tpu.memory_space<vmem>>, vector<1x16xf32>,
        %get3A_238 = vector.shape_cast %get3A_237 : vector<1x16xf32> to vector<16xf32>
        %exp3A_239 = math.exp %get3A_238 : vector<16xf32>
        %add3A_240 = arith.addf %add3A_229, %exp3A_239 : vector<16xf32>
        %eq3A_241 = arith.constant 16 : i32
        %eq3A_242 = vector.broadcast %eq3A_241 : i32 to vector<16xi32>
        %eq3A_243 = arith.cmpi eq, %get3A_60, %eq3A_242 : vector<16xi32>
        %select_n3A_244 = arith.select %eq3A_243, %get3A_238, %select_n3A_233 : vector<16xi1>, vector<16xf32>
        %get3A_245 = arith.constant 17 : i32
        %get3A_246 = arith.index_cast %get3A_245 : i32 to index
        %get3A_247 = arith.index_cast %mul3A_58 : i32 to index
        %get3A_248 = tpu.vector_load %arg7[%get3A_246, %get3A_247] {strides = array<i32>} : memref<21x2048xf32, #tpu.memory_space<vmem>>, vector<1x16xf32>,
        %get3A_249 = vector.shape_cast %get3A_248 : vector<1x16xf32> to vector<16xf32>
        %exp3A_250 = math.exp %get3A_249 : vector<16xf32>
        %add3A_251 = arith.addf %add3A_240, %exp3A_250 : vector<16xf32>
        %eq3A_252 = arith.constant 17 : i32
        %eq3A_253 = vector.broadcast %eq3A_252 : i32 to vector<16xi32>
        %eq3A_254 = arith.cmpi eq, %get3A_60, %eq3A_253 : vector<16xi32>
        %select_n3A_255 = arith.select %eq3A_254, %get3A_249, %select_n3A_244 : vector<16xi1>, vector<16xf32>
        %get3A_256 = arith.constant 18 : i32
        %get3A_257 = arith.index_cast %get3A_256 : i32 to index
        %get3A_258 = arith.index_cast %mul3A_58 : i32 to index
        %get3A_259 = tpu.vector_load %arg7[%get3A_257, %get3A_258] {strides = array<i32>} : memref<21x2048xf32, #tpu.memory_space<vmem>>, vector<1x16xf32>,
        %get3A_260 = vector.shape_cast %get3A_259 : vector<1x16xf32> to vector<16xf32>
        %exp3A_261 = math.exp %get3A_260 : vector<16xf32>
        %add3A_262 = arith.addf %add3A_251, %exp3A_261 : vector<16xf32>
        %eq3A_263 = arith.constant 18 : i32
        %eq3A_264 = vector.broadcast %eq3A_263 : i32 to vector<16xi32>
        %eq3A_265 = arith.cmpi eq, %get3A_60, %eq3A_264 : vector<16xi32>
        %select_n3A_266 = arith.select %eq3A_265, %get3A_260, %select_n3A_255 : vector<16xi1>, vector<16xf32>
        %get3A_267 = arith.constant 19 : i32
        %get3A_268 = arith.index_cast %get3A_267 : i32 to index
        %get3A_269 = arith.index_cast %mul3A_58 : i32 to index
        %get3A_270 = tpu.vector_load %arg7[%get3A_268, %get3A_269] {strides = array<i32>} : memref<21x2048xf32, #tpu.memory_space<vmem>>, vector<1x16xf32>,
        %get3A_271 = vector.shape_cast %get3A_270 : vector<1x16xf32> to vector<16xf32>
        %exp3A_272 = math.exp %get3A_271 : vector<16xf32>
        %add3A_273 = arith.addf %add3A_262, %exp3A_272 : vector<16xf32>
        %eq3A_274 = arith.constant 19 : i32
        %eq3A_275 = vector.broadcast %eq3A_274 : i32 to vector<16xi32>
        %eq3A_276 = arith.cmpi eq, %get3A_60, %eq3A_275 : vector<16xi32>
        %select_n3A_277 = arith.select %eq3A_276, %get3A_271, %select_n3A_266 : vector<16xi1>, vector<16xf32>
        %get3A_278 = arith.constant 20 : i32
        %get3A_279 = arith.index_cast %get3A_278 : i32 to index
        %get3A_280 = arith.index_cast %mul3A_58 : i32 to index
        %get3A_281 = tpu.vector_load %arg7[%get3A_279, %get3A_280] {strides = array<i32>} : memref<21x2048xf32, #tpu.memory_space<vmem>>, vector<1x16xf32>,
        %get3A_282 = vector.shape_cast %get3A_281 : vector<1x16xf32> to vector<16xf32>
        %exp3A_283 = math.exp %get3A_282 : vector<16xf32>
        %add3A_284 = arith.addf %add3A_273, %exp3A_283 : vector<16xf32>
        %eq3A_285 = arith.constant 20 : i32
        %eq3A_286 = vector.broadcast %eq3A_285 : i32 to vector<16xi32>
        %eq3A_287 = arith.cmpi eq, %get3A_60, %eq3A_286 : vector<16xi32>
        %select_n3A_288 = arith.select %eq3A_287, %get3A_282, %select_n3A_277 : vector<16xi1>, vector<16xf32>
        %sub3A_289 = arith.subi %sub3A_45, %mul3A_58 : i32
        %lt3A = vector.broadcast %sub3A_289 : i32 to vector<16xi32>
        %lt3A_290 = arith.cmpi slt, %iota3A, %lt3A : vector<16xi32>
        %jit3A = arith.constant 1.000000e+00 : f32
        %broadcast_in_dim3A_291 = vector.broadcast %jit3A : f32 to vector<16xf32>
        %select_n3A_292 = arith.select %lt3A_290, %add3A_284, %broadcast_in_dim3A_291 : vector<16xi1>, vector<16xf32>
        %bitcast_convert_type3A = tpu.bitcast %select_n3A_292 : vector<16xf32> -> vector<16xi32>
        %shift_right_arithmetic3A = arith.constant 23 : i32
        %shift_right_arithmetic3A_293 = vector.broadcast %shift_right_arithmetic3A : i32 to vector<16xi32>
        %shift_right_arithmetic3A_294 = arith.shrsi %bitcast_convert_type3A, %shift_right_arithmetic3A_293 : vector<16xi32>
        %sub3A_295 = arith.constant 127 : i32
        %sub3A_296 = vector.broadcast %sub3A_295 : i32 to vector<16xi32>
        %sub3A_297 = arith.subi %shift_right_arithmetic3A_294, %sub3A_296 : vector<16xi32>
        %and3A = arith.constant 8388607 : i32
        %and3A_298 = vector.broadcast %and3A : i32 to vector<16xi32>
        %and3A_299 = arith.andi %bitcast_convert_type3A, %and3A_298 : vector<16xi32>
        %or3A = arith.constant 1065353216 : i32
        %or3A_300 = vector.broadcast %or3A : i32 to vector<16xi32>
        %or3A_301 = arith.ori %and3A_299, %or3A_300 : vector<16xi32>
        %bitcast_convert_type3A_302 = tpu.bitcast %or3A_301 : vector<16xi32> -> vector<16xf32>
        %sub3A_303 = arith.constant 1.000000e+00 : f32
        %sub3A_304 = vector.broadcast %sub3A_303 : f32 to vector<16xf32>
        %sub3A_305 = arith.subf %bitcast_convert_type3A_302, %sub3A_304 : vector<16xf32>
        %add3A_306 = arith.constant 1.000000e+00 : f32
        %add3A_307 = vector.broadcast %add3A_306 : f32 to vector<16xf32>
        %add3A_308 = arith.addf %bitcast_convert_type3A_302, %add3A_307 : vector<16xf32>
        %div3A = arith.divf %sub3A_305, %add3A_308 : vector<16xf32>
        %mul3A_309 = arith.mulf %div3A, %div3A : vector<16xf32>
        %mul3A_310 = arith.constant 0.142857149 : f32
        %mul3A_311 = vector.broadcast %mul3A_310 : f32 to vector<16xf32>
        %mul3A_312 = arith.mulf %mul3A_309, %mul3A_311 : vector<16xf32>
        %add3A_313 = arith.constant 2.000000e-01 : f32
        %add3A_314 = vector.broadcast %add3A_313 : f32 to vector<16xf32>
        %add3A_315 = arith.addf %add3A_314, %mul3A_312 : vector<16xf32>
        %mul3A_316 = arith.mulf %mul3A_309, %add3A_315 : vector<16xf32>
        %add3A_317 = arith.constant 0.333333343 : f32
        %add3A_318 = vector.broadcast %add3A_317 : f32 to vector<16xf32>
        %add3A_319 = arith.addf %add3A_318, %mul3A_316 : vector<16xf32>
        %mul3A_320 = arith.mulf %mul3A_309, %add3A_319 : vector<16xf32>
        %add3A_321 = arith.constant 1.000000e+00 : f32
        %add3A_322 = vector.broadcast %add3A_321 : f32 to vector<16xf32>
        %add3A_323 = arith.addf %add3A_322, %mul3A_320 : vector<16xf32>
        %convert_element_type3A = arith.sitofp %sub3A_297 : vector<16xi32> to vector<16xf32>
        %mul3A_324 = arith.constant 0.693147182 : f32
        %mul3A_325 = vector.broadcast %mul3A_324 : f32 to vector<16xf32>
        %mul3A_326 = arith.mulf %convert_element_type3A, %mul3A_325 : vector<16xf32>
        %mul3A_327 = arith.constant 2.000000e+00 : f32
        %mul3A_328 = vector.broadcast %mul3A_327 : f32 to vector<16xf32>
        %mul3A_329 = arith.mulf %mul3A_328, %div3A : vector<16xf32>
        %mul3A_330 = arith.mulf %mul3A_329, %add3A_323 : vector<16xf32>
        %add3A_331 = arith.addf %mul3A_326, %mul3A_330 : vector<16xf32>
        %gt3A = arith.constant 0 : i32
        %gt3A_332 = vector.broadcast %gt3A : i32 to vector<16xi32>
        %gt3A_333 = arith.cmpi sgt, %get3A_60, %gt3A_332 : vector<16xi32>
        %jit3A_334 = arith.constant 1.000000e+00 : f32
        %jit3A_335 = arith.constant 0.000000e+00 : f32
        %broadcast_in_dim3A_336 = vector.broadcast %jit3A_334 : f32 to vector<16xf32>
        %broadcast_in_dim3A_337 = vector.broadcast %jit3A_335 : f32 to vector<16xf32>
        %select_n3A_338 = arith.select %gt3A_333, %broadcast_in_dim3A_336, %broadcast_in_dim3A_337 : vector<16xi1>, vector<16xf32>
        %get3A_339 = arith.constant 0 : i32
        %get3A_340 = arith.index_cast %get3A_339 : i32 to index
        %get3A_341 = arith.index_cast %mul3A_58 : i32 to index
        %get3A_342 = tpu.vector_load %arg9[%get3A_340, %get3A_341] {strides = array<i32>} : memref<4x2048xf32, #tpu.memory_space<vmem>>, vector<1x16xf32>,
        %get3A_343 = vector.shape_cast %get3A_342 : vector<1x16xf32> to vector<16xf32>
        %get3A_344 = arith.constant 0 : i32
        %get3A_345 = arith.index_cast %get3A_344 : i32 to index
        %get3A_346 = arith.index_cast %mul3A_58 : i32 to index
        %get3A_347 = tpu.vector_load %arg10[%get3A_345, %get3A_346] {strides = array<i32>} : memref<4x2048xf32, #tpu.memory_space<vmem>>, vector<1x16xf32>,
        %get3A_348 = vector.shape_cast %get3A_347 : vector<1x16xf32> to vector<16xf32>
        %sub3A_349 = arith.subf %get3A_343, %get3A_348 : vector<16xf32>
        %abs3A = math.absf %sub3A_349 : vector<16xf32>
        %lt3A_350 = arith.constant 1.000000e+00 : f32
        %lt3A_351 = vector.broadcast %lt3A_350 : f32 to vector<16xf32>
        %lt3A_352 = arith.cmpf olt, %abs3A, %lt3A_351 : vector<16xf32>
        %mul3A_353 = arith.constant 5.000000e-01 : f32
        %mul3A_354 = vector.broadcast %mul3A_353 : f32 to vector<16xf32>
        %mul3A_355 = arith.mulf %mul3A_354, %abs3A : vector<16xf32>
        %mul3A_356 = arith.mulf %mul3A_355, %abs3A : vector<16xf32>
        %sub3A_357 = arith.constant 5.000000e-01 : f32
        %sub3A_358 = vector.broadcast %sub3A_357 : f32 to vector<16xf32>
        %sub3A_359 = arith.subf %abs3A, %sub3A_358 : vector<16xf32>
        %select_n3A_360 = arith.select %lt3A_352, %mul3A_356, %sub3A_359 : vector<16xi1>, vector<16xf32>
        %add3A_361 = arith.addf %broadcast_in_dim3A_1, %select_n3A_360 : vector<16xf32>
        %get3A_362 = arith.constant 1 : i32
        %get3A_363 = arith.index_cast %get3A_362 : i32 to index
        %get3A_364 = arith.index_cast %mul3A_58 : i32 to index
        %get3A_365 = tpu.vector_load %arg9[%get3A_363, %get3A_364] {strides = array<i32>} : memref<4x2048xf32, #tpu.memory_space<vmem>>, vector<1x16xf32>,
        %get3A_366 = vector.shape_cast %get3A_365 : vector<1x16xf32> to vector<16xf32>
        %get3A_367 = arith.constant 1 : i32
        %get3A_368 = arith.index_cast %get3A_367 : i32 to index
        %get3A_369 = arith.index_cast %mul3A_58 : i32 to index
        %get3A_370 = tpu.vector_load %arg10[%get3A_368, %get3A_369] {strides = array<i32>} : memref<4x2048xf32, #tpu.memory_space<vmem>>, vector<1x16xf32>,
        %get3A_371 = vector.shape_cast %get3A_370 : vector<1x16xf32> to vector<16xf32>
        %sub3A_372 = arith.subf %get3A_366, %get3A_371 : vector<16xf32>
        %abs3A_373 = math.absf %sub3A_372 : vector<16xf32>
        %lt3A_374 = arith.constant 1.000000e+00 : f32
        %lt3A_375 = vector.broadcast %lt3A_374 : f32 to vector<16xf32>
        %lt3A_376 = arith.cmpf olt, %abs3A_373, %lt3A_375 : vector<16xf32>
        %mul3A_377 = arith.constant 5.000000e-01 : f32
        %mul3A_378 = vector.broadcast %mul3A_377 : f32 to vector<16xf32>
        %mul3A_379 = arith.mulf %mul3A_378, %abs3A_373 : vector<16xf32>
        %mul3A_380 = arith.mulf %mul3A_379, %abs3A_373 : vector<16xf32>
        %sub3A_381 = arith.constant 5.000000e-01 : f32
        %sub3A_382 = vector.broadcast %sub3A_381 : f32 to vector<16xf32>
        %sub3A_383 = arith.subf %abs3A_373, %sub3A_382 : vector<16xf32>
        %select_n3A_384 = arith.select %lt3A_376, %mul3A_380, %sub3A_383 : vector<16xi1>, vector<16xf32>
        %add3A_385 = arith.addf %add3A_361, %select_n3A_384 : vector<16xf32>
        %get3A_386 = arith.constant 2 : i32
        %get3A_387 = arith.index_cast %get3A_386 : i32 to index
        %get3A_388 = arith.index_cast %mul3A_58 : i32 to index
        %get3A_389 = tpu.vector_load %arg9[%get3A_387, %get3A_388] {strides = array<i32>} : memref<4x2048xf32, #tpu.memory_space<vmem>>, vector<1x16xf32>,
        %get3A_390 = vector.shape_cast %get3A_389 : vector<1x16xf32> to vector<16xf32>
        %get3A_391 = arith.constant 2 : i32
        %get3A_392 = arith.index_cast %get3A_391 : i32 to index
        %get3A_393 = arith.index_cast %mul3A_58 : i32 to index
        %get3A_394 = tpu.vector_load %arg10[%get3A_392, %get3A_393] {strides = array<i32>} : memref<4x2048xf32, #tpu.memory_space<vmem>>, vector<1x16xf32>,
        %get3A_395 = vector.shape_cast %get3A_394 : vector<1x16xf32> to vector<16xf32>
        %sub3A_396 = arith.subf %get3A_390, %get3A_395 : vector<16xf32>
        %abs3A_397 = math.absf %sub3A_396 : vector<16xf32>
        %lt3A_398 = arith.constant 1.000000e+00 : f32
        %lt3A_399 = vector.broadcast %lt3A_398 : f32 to vector<16xf32>
        %lt3A_400 = arith.cmpf olt, %abs3A_397, %lt3A_399 : vector<16xf32>
        %mul3A_401 = arith.constant 5.000000e-01 : f32
        %mul3A_402 = vector.broadcast %mul3A_401 : f32 to vector<16xf32>
        %mul3A_403 = arith.mulf %mul3A_402, %abs3A_397 : vector<16xf32>
        %mul3A_404 = arith.mulf %mul3A_403, %abs3A_397 : vector<16xf32>
        %sub3A_405 = arith.constant 5.000000e-01 : f32
        %sub3A_406 = vector.broadcast %sub3A_405 : f32 to vector<16xf32>
        %sub3A_407 = arith.subf %abs3A_397, %sub3A_406 : vector<16xf32>
        %select_n3A_408 = arith.select %lt3A_400, %mul3A_404, %sub3A_407 : vector<16xi1>, vector<16xf32>
        %add3A_409 = arith.addf %add3A_385, %select_n3A_408 : vector<16xf32>
        %get3A_410 = arith.constant 3 : i32
        %get3A_411 = arith.index_cast %get3A_410 : i32 to index
        %get3A_412 = arith.index_cast %mul3A_58 : i32 to index
        %get3A_413 = tpu.vector_load %arg9[%get3A_411, %get3A_412] {strides = array<i32>} : memref<4x2048xf32, #tpu.memory_space<vmem>>, vector<1x16xf32>,
        %get3A_414 = vector.shape_cast %get3A_413 : vector<1x16xf32> to vector<16xf32>
        %get3A_415 = arith.constant 3 : i32
        %get3A_416 = arith.index_cast %get3A_415 : i32 to index
        %get3A_417 = arith.index_cast %mul3A_58 : i32 to index
        %get3A_418 = tpu.vector_load %arg10[%get3A_416, %get3A_417] {strides = array<i32>} : memref<4x2048xf32, #tpu.memory_space<vmem>>, vector<1x16xf32>,
        %get3A_419 = vector.shape_cast %get3A_418 : vector<1x16xf32> to vector<16xf32>
        %sub3A_420 = arith.subf %get3A_414, %get3A_419 : vector<16xf32>
        %abs3A_421 = math.absf %sub3A_420 : vector<16xf32>
        %lt3A_422 = arith.constant 1.000000e+00 : f32
        %lt3A_423 = vector.broadcast %lt3A_422 : f32 to vector<16xf32>
        %lt3A_424 = arith.cmpf olt, %abs3A_421, %lt3A_423 : vector<16xf32>
        %mul3A_425 = arith.constant 5.000000e-01 : f32
        %mul3A_426 = vector.broadcast %mul3A_425 : f32 to vector<16xf32>
        %mul3A_427 = arith.mulf %mul3A_426, %abs3A_421 : vector<16xf32>
        %mul3A_428 = arith.mulf %mul3A_427, %abs3A_421 : vector<16xf32>
        %sub3A_429 = arith.constant 5.000000e-01 : f32
        %sub3A_430 = vector.broadcast %sub3A_429 : f32 to vector<16xf32>
        %sub3A_431 = arith.subf %abs3A_421, %sub3A_430 : vector<16xf32>
        %select_n3A_432 = arith.select %lt3A_424, %mul3A_428, %sub3A_431 : vector<16xi1>, vector<16xf32>
        %add3A_433 = arith.addf %add3A_409, %select_n3A_432 : vector<16xf32>
        %add3A_434 = arith.addf %scan3A_53, %add3A_331 : vector<16xf32>
        %add3A_435 = arith.addf %scan3A_54, %select_n3A_288 : vector<16xf32>
        %add3A_436 = arith.addf %scan3A_55, %select_n3A_338 : vector<16xf32>
        %mul3A_437 = arith.mulf %add3A_433, %select_n3A_338 : vector<16xf32>
        %add3A_438 = arith.addf %scan3A_56, %mul3A_437 : vector<16xf32>
        scf.yield %add3A_434, %add3A_435, %add3A_436, %add3A_438 : vector<16xf32>, vector<16xf32>, vector<16xf32>, vector<16xf32>
      }
      %scan3A_51 = arith.constant 128 : i32
      scf.yield %scan3A_50#0, %scan3A_50#1, %scan3A_50#2, %scan3A_50#3 : vector<16xf32>, vector<16xf32>, vector<16xf32>, vector<16xf32>
    }
    %scan3A_6 = arith.constant 2 : i32
    %swap3A = arith.constant 0 : i32
    %swap3A_7 = arith.index_cast %swap3A : i32 to index
    %swap3A_8 = arith.constant 0 : index
    %swap3A_9 = tpu.vector_load %arg11[%swap3A_7, %swap3A_8] {strides = array<i32>} : memref<4x16xf32, #tpu.memory_space<vmem>>, vector<1x16xf32>,
    %swap3A_10 = vector.shape_cast %swap3A_9 : vector<1x16xf32> to vector<16xf32>
    %swap3A_11 = vector.shape_cast %scan3A_5#0 : vector<16xf32> to vector<1x16xf32>
    tpu.vector_store %arg11[%swap3A_7, %swap3A_8], %swap3A_11 {strides = array<i32>} : memref<4x16xf32, #tpu.memory_space<vmem>>, vector<1x16xf32>,
    %swap3A_12 = arith.constant 1 : i32
    %swap3A_13 = arith.index_cast %swap3A_12 : i32 to index
    %swap3A_14 = arith.constant 0 : index
    %swap3A_15 = tpu.vector_load %arg11[%swap3A_13, %swap3A_14] {strides = array<i32>} : memref<4x16xf32, #tpu.memory_space<vmem>>, vector<1x16xf32>,
    %swap3A_16 = vector.shape_cast %swap3A_15 : vector<1x16xf32> to vector<16xf32>
    %swap3A_17 = vector.shape_cast %scan3A_5#1 : vector<16xf32> to vector<1x16xf32>
    tpu.vector_store %arg11[%swap3A_13, %swap3A_14], %swap3A_17 {strides = array<i32>} : memref<4x16xf32, #tpu.memory_space<vmem>>, vector<1x16xf32>,
    %swap3A_18 = arith.constant 2 : i32
    %swap3A_19 = arith.index_cast %swap3A_18 : i32 to index
    %swap3A_20 = arith.constant 0 : index
    %swap3A_21 = tpu.vector_load %arg11[%swap3A_19, %swap3A_20] {strides = array<i32>} : memref<4x16xf32, #tpu.memory_space<vmem>>, vector<1x16xf32>,
    %swap3A_22 = vector.shape_cast %swap3A_21 : vector<1x16xf32> to vector<16xf32>
    %swap3A_23 = vector.shape_cast %scan3A_5#2 : vector<16xf32> to vector<1x16xf32>
    tpu.vector_store %arg11[%swap3A_19, %swap3A_20], %swap3A_23 {strides = array<i32>} : memref<4x16xf32, #tpu.memory_space<vmem>>, vector<1x16xf32>,
    %swap3A_24 = arith.constant 3 : i32
    %swap3A_25 = arith.index_cast %swap3A_24 : i32 to index
    %swap3A_26 = arith.constant 0 : index
    %swap3A_27 = tpu.vector_load %arg11[%swap3A_25, %swap3A_26] {strides = array<i32>} : memref<4x16xf32, #tpu.memory_space<vmem>>, vector<1x16xf32>,
    %swap3A_28 = vector.shape_cast %swap3A_27 : vector<1x16xf32> to vector<16xf32>
    %swap3A_29 = vector.shape_cast %scan3A_5#3 : vector<16xf32> to vector<1x16xf32>
    tpu.vector_store %arg11[%swap3A_25, %swap3A_26], %swap3A_29 {strides = array<i32>} : memref<4x16xf32, #tpu.memory_space<vmem>>, vector<1x16xf32>,
    "tpu.region"() ({
      %run_scoped3A = tpu.sem_alloc : memref<!tpu.dma_semaphore, #tpu.memory_space<semaphore_mem>>
      %dma_start3A = arith.constant 0 : i32
      %dma_start3A_30 = arith.constant 0 : i32
      %dma_start3A_31 = tpu.memref_slice %arg6[%add3A, %dma_start3A, %dma_start3A_30] : memref<32x4x16xf32, #tpu.memory_space<hbm>> -> memref<1x4x16xf32, #tpu.memory_space<hbm>>
      %dma_start3A_32 = tpu.memref_squeeze %dma_start3A_31 : memref<1x4x16xf32, #tpu.memory_space<hbm>> -> memref<4x16xf32, #tpu.memory_space<hbm>>
      %dma_start3A_33 = arith.constant 0 : i32
      %dma_start3A_34 = arith.constant 0 : i32
      %dma_start3A_35 = tpu.memref_slice %arg6[%add3A, %dma_start3A_33, %dma_start3A_34] : memref<32x4x16xf32, #tpu.memory_space<hbm>> -> memref<1x4x16xf32, #tpu.memory_space<hbm>>
      %dma_start3A_36 = tpu.memref_squeeze %dma_start3A_35 : memref<1x4x16xf32, #tpu.memory_space<hbm>> -> memref<4x16xf32, #tpu.memory_space<hbm>>
      tpu.enqueue_dma source(%arg11 : memref<4x16xf32, #tpu.memory_space<vmem>>) target(%dma_start3A_36 : memref<4x16xf32, #tpu.memory_space<hbm>>) target_semaphore(%run_scoped3A : memref<!tpu.dma_semaphore, #tpu.memory_space<semaphore_mem>>)
      %dma_wait3A = arith.constant 0 : i32
      %dma_wait3A_37 = arith.constant 0 : i32
      %dma_wait3A_38 = tpu.memref_slice %arg6[%add3A, %dma_wait3A, %dma_wait3A_37] : memref<32x4x16xf32, #tpu.memory_space<hbm>> -> memref<1x4x16xf32, #tpu.memory_space<hbm>>
      %dma_wait3A_39 = tpu.memref_squeeze %dma_wait3A_38 : memref<1x4x16xf32, #tpu.memory_space<hbm>> -> memref<4x16xf32, #tpu.memory_space<hbm>>
      %dma_wait3A_40 = arith.constant 0 : i32
      %dma_wait3A_41 = arith.constant 0 : i32
      %dma_wait3A_42 = tpu.memref_slice %arg6[%add3A, %dma_wait3A_40, %dma_wait3A_41] : memref<32x4x16xf32, #tpu.memory_space<hbm>> -> memref<1x4x16xf32, #tpu.memory_space<hbm>>
      %dma_wait3A_43 = tpu.memref_squeeze %dma_wait3A_42 : memref<1x4x16xf32, #tpu.memory_space<hbm>> -> memref<4x16xf32, #tpu.memory_space<hbm>>
      tpu.wait_dma2 semaphore(%run_scoped3A : memref<!tpu.dma_semaphore, #tpu.memory_space<semaphore_mem>>) src(%arg11 : memref<4x16xf32, #tpu.memory_space<vmem>>) dst(%dma_wait3A_43 : memref<4x16xf32, #tpu.memory_space<hbm>>)
      tpu.yield
    }) : () -> ()
    return
  }
}

module attributes {stable_mosaic.version = 14 : i64} {
  func.func @_tc_body(%arg0: i32, %arg1: memref<1x21x20480xf32, #tpu.memory_space<vmem>>, %arg2: memref<32x20480xi32, #tpu.memory_space<vmem>>, %arg3: memref<1x4x20480xf32, #tpu.memory_space<vmem>>, %arg4: memref<1x4x20480xf32, #tpu.memory_space<vmem>>, %arg5: memref<1x1xf32, #tpu.memory_space<vmem>>, %arg6: memref<1x1xf32, #tpu.memory_space<vmem>>, %arg7: memref<1x1xf32, #tpu.memory_space<vmem>>, %arg8: memref<1x1xf32, #tpu.memory_space<vmem>>) attributes {dimension_semantics = [#tpu.dimension_semantics<arbitrary>], iteration_bounds = array<i64: 32>, scalar_prefetch = 0 : i64, scratch_operands = 0 : i64, tpu.core_type = #tpu.core_type<tc>, window_params = [{transform_indices = @transform_0, window_bounds = array<i64: 1, 21, 20480>}, {transform_indices = @transform_1, window_bounds = array<i64: 32, 20480>}, {transform_indices = @transform_2, window_bounds = array<i64: 1, 4, 20480>}, {transform_indices = @transform_3, window_bounds = array<i64: 1, 4, 20480>}, {pipeline_mode = #tpu.pipeline_mode<synchronous>, transform_indices = @transform_4, window_bounds = array<i64: 1, 1>}, {pipeline_mode = #tpu.pipeline_mode<synchronous>, transform_indices = @transform_5, window_bounds = array<i64: 1, 1>}, {pipeline_mode = #tpu.pipeline_mode<synchronous>, transform_indices = @transform_6, window_bounds = array<i64: 1, 1>}, {pipeline_mode = #tpu.pipeline_mode<synchronous>, transform_indices = @transform_7, window_bounds = array<i64: 1, 1>}]} {
    %eq3A = arith.constant 0 : i32
    %eq3A_0 = arith.cmpi eq, %arg0, %eq3A : i32
    %convert_element_type3A = arith.extui %eq3A_0 : i1 to i32
    %cond3A = arith.constant 0 : i32
    %cond3A_1 = arith.cmpi ne, %convert_element_type3A, %cond3A : i32
    scf.if %cond3A_1 {
      %broadcast_in_dim3A_92 = arith.constant 0.000000e+00 : f32
      %broadcast_in_dim3A_93 = vector.broadcast %broadcast_in_dim3A_92 : f32 to vector<1x1xf32>
      %swap3A_94 = arith.constant 0 : index
      %swap3A_95 = arith.constant 0 : index
      %swap3A_96 = vector.load %arg5[%swap3A_94, %swap3A_95] : memref<1x1xf32, #tpu.memory_space<vmem>>, vector<1x1xf32>
      tpu.vector_store %arg5[%swap3A_94, %swap3A_95], %broadcast_in_dim3A_93 {strides = array<i32>} : memref<1x1xf32, #tpu.memory_space<vmem>>, vector<1x1xf32>,
      %broadcast_in_dim3A_97 = arith.constant 0.000000e+00 : f32
      %broadcast_in_dim3A_98 = vector.broadcast %broadcast_in_dim3A_97 : f32 to vector<1x1xf32>
      %swap3A_99 = arith.constant 0 : index
      %swap3A_100 = arith.constant 0 : index
      %swap3A_101 = vector.load %arg6[%swap3A_99, %swap3A_100] : memref<1x1xf32, #tpu.memory_space<vmem>>, vector<1x1xf32>
      tpu.vector_store %arg6[%swap3A_99, %swap3A_100], %broadcast_in_dim3A_98 {strides = array<i32>} : memref<1x1xf32, #tpu.memory_space<vmem>>, vector<1x1xf32>,
      %broadcast_in_dim3A_102 = arith.constant 0.000000e+00 : f32
      %broadcast_in_dim3A_103 = vector.broadcast %broadcast_in_dim3A_102 : f32 to vector<1x1xf32>
      %swap3A_104 = arith.constant 0 : index
      %swap3A_105 = arith.constant 0 : index
      %swap3A_106 = vector.load %arg7[%swap3A_104, %swap3A_105] : memref<1x1xf32, #tpu.memory_space<vmem>>, vector<1x1xf32>
      tpu.vector_store %arg7[%swap3A_104, %swap3A_105], %broadcast_in_dim3A_103 {strides = array<i32>} : memref<1x1xf32, #tpu.memory_space<vmem>>, vector<1x1xf32>,
      %broadcast_in_dim3A_107 = arith.constant 0.000000e+00 : f32
      %broadcast_in_dim3A_108 = vector.broadcast %broadcast_in_dim3A_107 : f32 to vector<1x1xf32>
      %swap3A_109 = arith.constant 0 : index
      %swap3A_110 = arith.constant 0 : index
      %swap3A_111 = vector.load %arg8[%swap3A_109, %swap3A_110] : memref<1x1xf32, #tpu.memory_space<vmem>>, vector<1x1xf32>
      tpu.vector_store %arg8[%swap3A_109, %swap3A_110], %broadcast_in_dim3A_108 {strides = array<i32>} : memref<1x1xf32, #tpu.memory_space<vmem>>, vector<1x1xf32>,
    } else {
    }
    %get3A = arith.constant 0 : index
    %get3A_2 = arith.constant 0 : index
    %get3A_3 = arith.constant 0 : index
    %get3A_4 = vector.load %arg1[%get3A, %get3A_2, %get3A_3] : memref<1x21x20480xf32, #tpu.memory_space<vmem>>, vector<1x21x20480xf32>
    %get3A_5 = vector.shape_cast %get3A_4 : vector<1x21x20480xf32> to vector<21x20480xf32>
    %exp3A = math.exp %get3A_5 : vector<21x20480xf32>
    %reduce_sum3A = arith.constant dense<0.000000e+00> : vector<20480xf32>
    %reduce_sum3A_6 = vector.multi_reduction <add>, %exp3A, %reduce_sum3A [0] : vector<21x20480xf32> to vector<20480xf32>
    %broadcast_in_dim3A = vector.shape_cast %reduce_sum3A_6 : vector<20480xf32> to vector<1x20480xf32>
    %log3A = math.log %broadcast_in_dim3A : vector<1x20480xf32>
    %get3A_7 = arith.index_cast %arg0 : i32 to index
    %get3A_8 = arith.constant 0 : index
    %get3A_9 = vector.load %arg2[%get3A_7, %get3A_8] : memref<32x20480xi32, #tpu.memory_space<vmem>>, vector<1x20480xi32>
    %iota3A = tpu.iota {dimensions = array<i32: 0>} : vector<21x20480xi32>
    %eq3A_10 = vector.broadcast %get3A_9 : vector<1x20480xi32> to vector<21x20480xi32>
    %eq3A_11 = arith.cmpi eq, %iota3A, %eq3A_10 : vector<21x20480xi32>
    %jit3A = arith.constant 0.000000e+00 : f32
    %broadcast_in_dim3A_12 = vector.broadcast %jit3A : f32 to vector<21x20480xf32>
    %select_n3A = arith.select %eq3A_11, %get3A_5, %broadcast_in_dim3A_12 : vector<21x20480xi1>, vector<21x20480xf32>
    %reduce_sum3A_13 = arith.constant dense<0.000000e+00> : vector<20480xf32>
    %reduce_sum3A_14 = vector.multi_reduction <add>, %select_n3A, %reduce_sum3A_13 [0] : vector<21x20480xf32> to vector<20480xf32>
    %broadcast_in_dim3A_15 = vector.shape_cast %reduce_sum3A_14 : vector<20480xf32> to vector<1x20480xf32>
    %gt3A = arith.constant 0 : i32
    %gt3A_16 = vector.broadcast %gt3A : i32 to vector<1x20480xi32>
    %gt3A_17 = arith.cmpi sgt, %get3A_9, %gt3A_16 : vector<1x20480xi32>
    %convert_element_type3A_18 = arith.extui %gt3A_17 : vector<1x20480xi1> to vector<1x20480xi32>
    %convert_element_type3A_19 = arith.sitofp %convert_element_type3A_18 : vector<1x20480xi32> to vector<1x20480xf32>
    %get3A_20 = arith.constant 0 : index
    %get3A_21 = arith.constant 0 : index
    %get3A_22 = arith.constant 0 : index
    %get3A_23 = vector.load %arg3[%get3A_20, %get3A_21, %get3A_22] : memref<1x4x20480xf32, #tpu.memory_space<vmem>>, vector<1x4x20480xf32>
    %get3A_24 = vector.shape_cast %get3A_23 : vector<1x4x20480xf32> to vector<4x20480xf32>
    %get3A_25 = arith.constant 0 : index
    %get3A_26 = arith.constant 0 : index
    %get3A_27 = arith.constant 0 : index
    %get3A_28 = vector.load %arg4[%get3A_25, %get3A_26, %get3A_27] : memref<1x4x20480xf32, #tpu.memory_space<vmem>>, vector<1x4x20480xf32>
    %get3A_29 = vector.shape_cast %get3A_28 : vector<1x4x20480xf32> to vector<4x20480xf32>
    %sub3A = arith.subf %get3A_24, %get3A_29 : vector<4x20480xf32>
    %abs3A = math.absf %sub3A : vector<4x20480xf32>
    %lt3A = arith.constant 1.000000e+00 : f32
    %lt3A_30 = vector.broadcast %lt3A : f32 to vector<4x20480xf32>
    %lt3A_31 = arith.cmpf olt, %abs3A, %lt3A_30 : vector<4x20480xf32>
    %mul3A = arith.constant 5.000000e-01 : f32
    %mul3A_32 = vector.broadcast %mul3A : f32 to vector<4x20480xf32>
    %mul3A_33 = arith.mulf %mul3A_32, %abs3A : vector<4x20480xf32>
    %mul3A_34 = arith.mulf %mul3A_33, %abs3A : vector<4x20480xf32>
    %sub3A_35 = arith.constant 5.000000e-01 : f32
    %sub3A_36 = vector.broadcast %sub3A_35 : f32 to vector<4x20480xf32>
    %sub3A_37 = arith.subf %abs3A, %sub3A_36 : vector<4x20480xf32>
    %select_n3A_38 = arith.select %lt3A_31, %mul3A_34, %sub3A_37 : vector<4x20480xi1>, vector<4x20480xf32>
    %reduce_sum3A_39 = arith.constant dense<0.000000e+00> : vector<20480xf32>
    %reduce_sum3A_40 = vector.multi_reduction <add>, %select_n3A_38, %reduce_sum3A_39 [0] : vector<4x20480xf32> to vector<20480xf32>
    %broadcast_in_dim3A_41 = vector.shape_cast %reduce_sum3A_40 : vector<20480xf32> to vector<1x20480xf32>
    %mul3A_42 = arith.mulf %broadcast_in_dim3A_41, %convert_element_type3A_19 : vector<1x20480xf32>
    %get3A_43 = arith.constant 0 : index
    %get3A_44 = arith.constant 0 : index
    %get3A_45 = vector.load %arg5[%get3A_43, %get3A_44] : memref<1x1xf32, #tpu.memory_space<vmem>>, vector<1x1xf32>
    %reduce_sum3A_46 = vector.shape_cast %log3A : vector<1x20480xf32> to vector<1x1x20480xf32>
    %reduce_sum3A_47 = arith.constant dense<0.000000e+00> : vector<1xf32>
    %reduce_sum3A_48 = vector.multi_reduction <add>, %reduce_sum3A_46, %reduce_sum3A_47 [1, 2] : vector<1x1x20480xf32> to vector<1xf32>
    %reduce_sum3A_49 = vector.shape_cast %reduce_sum3A_48 : vector<1xf32> to vector<1x1x1xf32>
    %reduce_sum3A_50 = vector.extract %reduce_sum3A_49[0, 0, 0] : f32 from vector<1x1x1xf32>
    %reshape3A = vector.broadcast %reduce_sum3A_50 : f32 to vector<1x1xf32>
    %add3A = arith.addf %get3A_45, %reshape3A : vector<1x1xf32>
    %swap3A = arith.constant 0 : index
    %swap3A_51 = arith.constant 0 : index
    %swap3A_52 = vector.load %arg5[%swap3A, %swap3A_51] : memref<1x1xf32, #tpu.memory_space<vmem>>, vector<1x1xf32>
    tpu.vector_store %arg5[%swap3A, %swap3A_51], %add3A {strides = array<i32>} : memref<1x1xf32, #tpu.memory_space<vmem>>, vector<1x1xf32>,
    %get3A_53 = arith.constant 0 : index
    %get3A_54 = arith.constant 0 : index
    %get3A_55 = vector.load %arg6[%get3A_53, %get3A_54] : memref<1x1xf32, #tpu.memory_space<vmem>>, vector<1x1xf32>
    %reduce_sum3A_56 = vector.shape_cast %broadcast_in_dim3A_15 : vector<1x20480xf32> to vector<1x1x20480xf32>
    %reduce_sum3A_57 = arith.constant dense<0.000000e+00> : vector<1xf32>
    %reduce_sum3A_58 = vector.multi_reduction <add>, %reduce_sum3A_56, %reduce_sum3A_57 [1, 2] : vector<1x1x20480xf32> to vector<1xf32>
    %reduce_sum3A_59 = vector.shape_cast %reduce_sum3A_58 : vector<1xf32> to vector<1x1x1xf32>
    %reduce_sum3A_60 = vector.extract %reduce_sum3A_59[0, 0, 0] : f32 from vector<1x1x1xf32>
    %reshape3A_61 = vector.broadcast %reduce_sum3A_60 : f32 to vector<1x1xf32>
    %add3A_62 = arith.addf %get3A_55, %reshape3A_61 : vector<1x1xf32>
    %swap3A_63 = arith.constant 0 : index
    %swap3A_64 = arith.constant 0 : index
    %swap3A_65 = vector.load %arg6[%swap3A_63, %swap3A_64] : memref<1x1xf32, #tpu.memory_space<vmem>>, vector<1x1xf32>
    tpu.vector_store %arg6[%swap3A_63, %swap3A_64], %add3A_62 {strides = array<i32>} : memref<1x1xf32, #tpu.memory_space<vmem>>, vector<1x1xf32>,
    %get3A_66 = arith.constant 0 : index
    %get3A_67 = arith.constant 0 : index
    %get3A_68 = vector.load %arg7[%get3A_66, %get3A_67] : memref<1x1xf32, #tpu.memory_space<vmem>>, vector<1x1xf32>
    %reduce_sum3A_69 = vector.shape_cast %convert_element_type3A_19 : vector<1x20480xf32> to vector<1x1x20480xf32>
    %reduce_sum3A_70 = arith.constant dense<0.000000e+00> : vector<1xf32>
    %reduce_sum3A_71 = vector.multi_reduction <add>, %reduce_sum3A_69, %reduce_sum3A_70 [1, 2] : vector<1x1x20480xf32> to vector<1xf32>
    %reduce_sum3A_72 = vector.shape_cast %reduce_sum3A_71 : vector<1xf32> to vector<1x1x1xf32>
    %reduce_sum3A_73 = vector.extract %reduce_sum3A_72[0, 0, 0] : f32 from vector<1x1x1xf32>
    %reshape3A_74 = vector.broadcast %reduce_sum3A_73 : f32 to vector<1x1xf32>
    %add3A_75 = arith.addf %get3A_68, %reshape3A_74 : vector<1x1xf32>
    %swap3A_76 = arith.constant 0 : index
    %swap3A_77 = arith.constant 0 : index
    %swap3A_78 = vector.load %arg7[%swap3A_76, %swap3A_77] : memref<1x1xf32, #tpu.memory_space<vmem>>, vector<1x1xf32>
    tpu.vector_store %arg7[%swap3A_76, %swap3A_77], %add3A_75 {strides = array<i32>} : memref<1x1xf32, #tpu.memory_space<vmem>>, vector<1x1xf32>,
    %get3A_79 = arith.constant 0 : index
    %get3A_80 = arith.constant 0 : index
    %get3A_81 = vector.load %arg8[%get3A_79, %get3A_80] : memref<1x1xf32, #tpu.memory_space<vmem>>, vector<1x1xf32>
    %reduce_sum3A_82 = vector.shape_cast %mul3A_42 : vector<1x20480xf32> to vector<1x1x20480xf32>
    %reduce_sum3A_83 = arith.constant dense<0.000000e+00> : vector<1xf32>
    %reduce_sum3A_84 = vector.multi_reduction <add>, %reduce_sum3A_82, %reduce_sum3A_83 [1, 2] : vector<1x1x20480xf32> to vector<1xf32>
    %reduce_sum3A_85 = vector.shape_cast %reduce_sum3A_84 : vector<1xf32> to vector<1x1x1xf32>
    %reduce_sum3A_86 = vector.extract %reduce_sum3A_85[0, 0, 0] : f32 from vector<1x1x1xf32>
    %reshape3A_87 = vector.broadcast %reduce_sum3A_86 : f32 to vector<1x1xf32>
    %add3A_88 = arith.addf %get3A_81, %reshape3A_87 : vector<1x1xf32>
    %swap3A_89 = arith.constant 0 : index
    %swap3A_90 = arith.constant 0 : index
    %swap3A_91 = vector.load %arg8[%swap3A_89, %swap3A_90] : memref<1x1xf32, #tpu.memory_space<vmem>>, vector<1x1xf32>
    tpu.vector_store %arg8[%swap3A_89, %swap3A_90], %add3A_88 {strides = array<i32>} : memref<1x1xf32, #tpu.memory_space<vmem>>, vector<1x1xf32>,
    return
  }
  func.func @transform_0(%arg0: i32) -> (i32, i32, i32) {
    %c0_i32 = arith.constant 0 : i32
    %c0_i32_0 = arith.constant 0 : i32
    %c0_i32_1 = arith.constant 0 : i32
    return %arg0, %c0_i32, %c0_i32_0 : i32, i32, i32
  }
  func.func @transform_1(%arg0: i32) -> (i32, i32) {
    %c0_i32 = arith.constant 0 : i32
    %c0_i32_0 = arith.constant 0 : i32
    %c0_i32_1 = arith.constant 0 : i32
    return %c0_i32, %c0_i32_0 : i32, i32
  }
  func.func @transform_2(%arg0: i32) -> (i32, i32, i32) {
    %c0_i32 = arith.constant 0 : i32
    %c0_i32_0 = arith.constant 0 : i32
    %c0_i32_1 = arith.constant 0 : i32
    return %arg0, %c0_i32, %c0_i32_0 : i32, i32, i32
  }
  func.func @transform_3(%arg0: i32) -> (i32, i32, i32) {
    %c0_i32 = arith.constant 0 : i32
    %c0_i32_0 = arith.constant 0 : i32
    %c0_i32_1 = arith.constant 0 : i32
    return %arg0, %c0_i32, %c0_i32_0 : i32, i32, i32
  }
  func.func @transform_4(%arg0: i32) -> (i32, i32) {
    %c0_i32 = arith.constant 0 : i32
    %c0_i32_0 = arith.constant 0 : i32
    %c0_i32_1 = arith.constant 0 : i32
    return %c0_i32, %c0_i32_0 : i32, i32
  }
  func.func @transform_5(%arg0: i32) -> (i32, i32) {
    %c0_i32 = arith.constant 0 : i32
    %c0_i32_0 = arith.constant 0 : i32
    %c0_i32_1 = arith.constant 0 : i32
    return %c0_i32, %c0_i32_0 : i32, i32
  }
  func.func @transform_6(%arg0: i32) -> (i32, i32) {
    %c0_i32 = arith.constant 0 : i32
    %c0_i32_0 = arith.constant 0 : i32
    %c0_i32_1 = arith.constant 0 : i32
    return %c0_i32, %c0_i32_0 : i32, i32
  }
  func.func @transform_7(%arg0: i32) -> (i32, i32) {
    %c0_i32 = arith.constant 0 : i32
    %c0_i32_0 = arith.constant 0 : i32
    %c0_i32_1 = arith.constant 0 : i32
    return %c0_i32, %c0_i32_0 : i32, i32
  }
}

</mosaic_0001>

<sc_bundles>
// kernel: kernel.4.cloned.1.call-start
scs
__scs_entry_jumppad:
0x0: {  	(pc) =	sbr.rel $0x88, $3  }
0x1: {  	(tag) =	ssettag $0x0;
	lr =	simm.s32 $0x1  }
0x2: {  	[smem:$0x3F9D] =	sst lr;
	_ =	strace $0xD0000000  }
0x3: {  	_ = 	snop  }
0x4: {  	_ = 	snop  }
0x5: {  	_ = 	snop  }
0x6: {  	_ = 	snop  }
0x7: {  	_ = 	snop  }
__scs_overlays_trampoline_lowered:
0x8: {  	[smem:$0x3FAC] =	sst s0  }
0x9: {  	[smem:$0x3FAD] =	sst s1  }
0xa: {  	[smem:$0x3FAE] =	sst s2  }
0xb: {  	[smem:$0x3FAF] =	sst s3  }
0xc: {  	[smem:$0x3FB0] =	sst s4  }
0xd: {  	[smem:$0x3FB1] =	sst s5  }
0xe: {  	[smem:$0x3FB2] =	sst s6  }
0xf: {  	[smem:$0x3FB3] =	sst s7  }
0x10: {  	[smem:$0x3FB4] =	sst s8  }
0x11: {  	[smem:$0x3FB5] =	sst s9;
	s0 =	simm.s32 @!p0 $0x0  }
0x12: {  	s1 =	sld [smem:$0x3F9B];
	s0 =	simm.s32 @p0 $0x1  }
0x13: {  	[smem:$0x3FB6] =	sst s0;
	s0 =	simm.s32 @!p1 $0x0  }
0x14: {  	s2 =	sld [smem:$0x3F9A];
	s0 =	simm.s32 @p1 $0x1  }
0x15: {  	[smem:$0x3FB7] =	sst s0;
	s0 =	simm.s32 @!p2 $0x0  }
0x16: {  	s3 =	sld [smem:$0x3FDB];
	s0 =	simm.s32 @p2 $0x1  }
0x17: {  	s4 =	simm.s32 $0x1BF5;
	[smem:$0x3FB9] =	sst s0  }
0x18: {  	s0 =	sld [smem:$0x3F9C];
	_ =	swait.ge [sflag:s4], $0x0  }
0x19: {  	s7 =	sld [smem:$0x3F9D]  }
0x1a: {  	s8 =	sadd.s32 $0xFFFFE003, lr  }
0x1b: {  	s9 =	sadd.s32 $0xFFFFFEF7, lr;
	s5 =	simm.s32 $0xFFFFFFFF;
	p2 =	slt.u32 s8, $0xFFFFF086  }
0x1c: {  	p1 =	slt.u32 s9, $0xF7A;
	s5 =	simm.s32 @!p2 $0x0  }
0x1d: {  	s5 =	simm.s32 @p1 $0x1;
	p0 =	seq.s32 s7, s2  }
0x1e: {  	s7 =	smul.u32 @!p0 $0xF7A, s2;
	p2 =	seq.s32 @!p0 s5, $0x0  }
0x1f: {  	s9 =	smul.u32 $0xF7A, s1;
	s8 =	simm.s32 @!p0 $0x1BF5;
	p2 =	por !p2, p0  }
0x20: {  	[sflag:s8] =	ssyncset.s32 @!p0 $0xFFFFF086;
	s6 =	sadd.s32 @!p0 s3, s7;
	s7 =	simm.s32 @!p0 $0x108  }
0x21: {  	s3 =	sadd.s32 s3, s9;
	s6 =	sadd.s32 @!p0 $0x88, s6;
	s7 =	simm.s32 @p2 $0x1082  }
0x22: {  	[simem:s7], [sflag:s8] =	dma.local @!p0 [hbm:s6], $0xF7A  }
0x23: {  	s9 =	sor.u32 $0xD0000000, s2;
	s6 =	simm.s32 $0x108;
	_ =	swait.ge @!p0 [sflag:s8], $0x0  }
0x24: {  	s3 =	sadd.s32 $0x88, s3;
	s6 =	simm.s32 @!p1 $0x1082;
	[sflag:s4] =	ssyncset.s32 $0xFFFFF086  }
0x25: {  	[simem:s6], [sflag:s4] =	dma.local [hbm:s3], $0xF7A  }
0x26: {  	[smem:$0x3F9D] =	sst s1;
	(tag) =	ssettag s2;
	_ =	strace s9  }
0x27: {  	s1 =	sld [smem:$0x3FAD]  }
0x28: {  	s2 =	sld [smem:$0x3FAE]  }
0x29: {  	s4 =	sld [smem:$0x3FB0]  }
0x2a: {  	p0 =	seq.s32 s5, $0x0;
	s5 =	sld [smem:$0x3FB1]  }
0x2b: {  	s6 =	sld [smem:$0x3FB2]  }
0x2c: {  	s7 =	sld [smem:$0x3FB3]  }
0x2d: {  	s3 =	simm.s32 $0x108;
	s8 =	sld [smem:$0x3FB4]  }
0x2e: {  	s3 =	simm.s32 @!p0 $0x1082;
	s9 =	sld [smem:$0x3FB5]  }
0x2f: {  	lr =	sadd.s32 s0, s3;
	s0 =	sld [smem:$0x3FAC]  }
0x30: {  	s3 =	sld [smem:$0x3FAF]  }
0x31: {  	[smem:$0x3FB8] =	sst s10  }
0x32: {  	s10 =	sld [smem:$0x3FB6];
	_ =	sdelay $0x3  }
0x33: {  	p0 =	seq.s32 s10, $0x1;
	s10 =	sld [smem:$0x3FB8];
	_ =	sdelay $0x3  }
0x34: {  	[smem:$0x3FB8] =	sst s10  }
0x35: {  	s10 =	sld [smem:$0x3FB7];
	_ =	sdelay $0x3  }
0x36: {  	p1 =	seq.s32 s10, $0x1;
	s10 =	sld [smem:$0x3FB8];
	_ =	sdelay $0x3  }
0x37: {  	[smem:$0x3FB8] =	sst s10  }
0x38: {  	s10 =	sld [smem:$0x3FB9]  }
0x39: {  	_ = 	snop;
	(pc) =	sbr.ind lr, $3  }
0x3a: {  	_ = 	snop  }
0x3b: {  	_ = 	snop  }
0x3c: {  	p2 =	seq.s32 s10, $0x1;
	s10 =	sld [smem:$0x3FB8]  }
0x3d: {  	_ =	shalt  }
0x3e: {  	_ =	shalt  }
0x3f: {  	_ =	shalt  }
0x40: {  	_ =	shalt  }
0x41: {  	_ =	shalt  }
0x42: {  	_ =	shalt  }
0x43: {  	_ =	shalt  }
0x44: {  	_ =	shalt  }
0x45: {  	_ =	shalt  }
0x46: {  	_ =	shalt  }
0x47: {  	_ =	shalt  }
0x48: {  	_ =	shalt  }
0x49: {  	_ =	shalt  }
0x4a: {  	_ =	shalt  }
0x4b: {  	_ =	shalt  }
0x4c: {  	_ =	shalt  }
0x4d: {  	_ =	shalt  }
0x4e: {  	_ =	shalt  }
0x4f: {  	_ =	shalt  }
0x50: {  	_ =	shalt  }
0x51: {  	_ =	shalt  }
0x52: {  	_ =	shalt  }
0x53: {  	_ =	shalt  }
0x54: {  	_ =	shalt  }
0x55: {  	_ =	shalt  }
0x56: {  	_ =	shalt  }
0x57: {  	_ =	shalt  }
0x58: {  	_ =	shalt  }
0x59: {  	_ =	shalt  }
0x5a: {  	_ =	shalt  }
0x5b: {  	_ =	shalt  }
0x5c: {  	_ =	shalt  }
0x5d: {  	_ =	shalt  }
0x5e: {  	_ =	shalt  }
0x5f: {  	_ =	shalt  }
0x60: {  	_ =	shalt  }
0x61: {  	_ =	shalt  }
0x62: {  	_ =	shalt  }
0x63: {  	_ =	shalt  }
0x64: {  	_ =	shalt  }
0x65: {  	_ =	shalt  }
0x66: {  	_ =	shalt  }
0x67: {  	_ =	shalt  }
0x68: {  	_ =	shalt  }
0x69: {  	_ =	shalt  }
0x6a: {  	_ =	shalt  }
0x6b: {  	_ =	shalt  }
0x6c: {  	_ =	shalt  }
0x6d: {  	_ =	shalt  }
0x6e: {  	_ =	shalt  }
0x6f: {  	_ =	shalt  }
0x70: {  	_ =	shalt  }
0x71: {  	_ =	shalt  }
0x72: {  	_ =	shalt  }
0x73: {  	_ =	shalt  }
0x74: {  	_ =	shalt  }
0x75: {  	_ =	shalt  }
0x76: {  	_ =	shalt  }
0x77: {  	_ =	shalt  }
0x78: {  	_ =	shalt  }
0x79: {  	_ =	shalt  }
0x7a: {  	_ =	shalt  }
0x7b: {  	_ =	shalt  }
0x7c: {  	_ =	shalt  }
0x7d: {  	_ =	shalt  }
0x7e: {  	_ =	shalt  }
0x7f: {  	_ =	shalt  }
0x80: {  	_ =	shalt  }
0x81: {  	_ =	shalt  }
0x82: {  	_ =	shalt  }
0x83: {  	_ =	shalt  }
0x84: {  	_ =	shalt  }
0x85: {  	_ =	shalt  }
0x86: {  	_ =	shalt  }
0x87: {  	_ =	shalt  }
.Lfunc_end0:
.L_simem_size_0:
called_computation_lowered:
.L_overlay_start_0:
0x88: {  	s2 =	sld [smem:$0x3FD9]  }
0x89: {  	s3 =	sld [smem:$0x3FFE];
	_ =	sdelay $0x1  }
0x8a: {  	s1 =	srdreg.scid  }
0x8b: {  	s0 =	sand.u32 $0x1, s1  }
0x8c: {  	s16 =	sshll.u32 s0, $0xA;
	s2 =	sadd.s32 s3, s2  }
0x8d: {  	s2 =	sadd.s32 s2, s16  }
0x8e: {  	[smem:$0x3FC4] =	sst s2  }
0x8f: {  	_ = 	snop  }
0x90: {  	(tm) =	ssettm $0x1  }
0x91: {  	s17 =	sld [smem:$0x3FFB];
	_ =	sdelay $0x3  }
0x92: {  	_ =	strace s17  }
0x93: {  	s2 =	sld [smem:$0x3FFC];
	_ =	sdelay $0x3  }
0x94: {  	_ =	strace s2  }
0x95: {  	s2 =	sld [smem:$0x3FFD];
	_ =	sdelay $0x3  }
0x96: {  	_ =	strace s2  }
0x97: {  	_ =	strace $0x8FFFFFFF  }
0x98: {  	s18 =	sld [smem:$0x3FDB];
	_ =	sdelay $0x1  }
0x99: {  	s19 =	simm.s32 $_scs_section_size  }
0x9a: {  	s4 =	simm.s32 $_size__tile_overlayer_lowered;
	s5 =	simm.s32 $_tile_overlayer_lowered  }
0x9b: {  	s22 =	simm.s32 $0x1BFF;
	s21 =	sshll.u32 s5, $0x1;
	s2 =	sadd.s32 s19, s18  }
0x9c: {  	s6 =	simm.s32 $0x0;
	s20 =	sshll.u32 s4, $0x1;
	s4 =	sadd.s32 s21, s2  }
0x9d: {  	[timem:s6], [sflag:s22] =	dma.local [hbm:s4], s20  }
0x9e: {  	_ =	swait.ge [sflag:s22], s20  }
0x9f: {  	s3 =	ssub.s32 $0x0, s20;
	[sflag:s22] =	ssyncset.done $0x0  }
0xa0: {  	[sflag:s22] =	ssyncadd.s32 s3;
	_ =	sdelay $0x1  }
0xa1: {  	s23 =	simm.s32 $0x1B8B  }
0xa2: {  	_ =	swait.ge [sflag:s23], $0x1  }
0xa3: {  	[sflag:s23] =	ssyncset.done $0x0  }
0xa4: {  	s25 =	simm.s32 $0x1B8E;
	s24 =	sld [smem:$0x3FFE];
	[sflag:s23] =	ssyncadd.s32 $0xFFFFFFFF  }
0xa5: {  	s26 =	simm.s32 $execute0_lowered;
	[smem:$0x3FD2] =	sst s25  }
0xa6: {  	s4 =	sshll.u32 s26, $0x1;
	_ =	strace $0x80000046;
	[dreg:$0x1] =	wrdreg $0xFFFFFFFF  }
0xa7: {  	s28 =	simm.s32 $_size_execute0_lowered;
	s2 =	sadd.s32 s2, s4;
	[dreg:$0x0] =	wrdreg $0x0  }
0xa8: {  	s4 =	sshll.u32 s28, $0x1;
	[dreg:$0x2] =	wrdreg s2  }
0xa9: {  	[dreg:$0x3] =	wrdreg s4  }
0xaa: {  	[dreg:$0x4] =	wrdreg $0xC0  }
0xab: {  	_ =	task [dreg:s6], $0x5FFFF  }
0xac: {  	[dreg:$0x1] =	wrdreg $0xFFFFFFFF  }
0xad: {  	[dreg:$0x0] =	wrdreg $0x60  }
0xae: {  	[dreg:$0x2] =	wrdreg s24  }
0xaf: {  	[dreg:$0x3] =	wrdreg $0x9  }
0xb0: {  	_ =	task.clear_ibuf [dreg:s6], $0x4FFFF;
	_ =	strace $0x90000046  }
0xb1: {  	s29 =	simm.s32 $0x9;
	_ =	strace $0x80000048  }
0xb2: {  	_ =	swait.ge [sflag:s29], $0x1  }
0xb3: {  	[sflag:s29] =	ssyncadd.s32 $0xFFFFFFFF  }
0xb4: {  	_ =	strace $0x90000048  }
0xb5: {  	_ =	sfence  }
0xb6: {  	s30 =	sld [smem:$0x0];
	_ =	sdelay $0x2  }
0xb7: {  	s31 =	sshll.u32 s1, $0xD;
	s1 =	sshrl.u32 s1, $0x2  }
0xb8: {  	s3 =	sand.u32 $0x4000, s31;
	s1 =	sadd.s32 s1, s30  }
0xb9: {  	s0 =	sor.u32 s3, s0;
	s1 =	sshll.u32 s1, $0x11  }
0xba: {  	s0 =	sor.u32 s1, s0  }
0xbb: {  	s0 =	sadd.s32 $0x8F2B, s0  }
0xbc: {  	[sflag:s0] =	ssyncadd.remote.s32 $0x1  }
0xbd: {  	_ =	sfence.sel $0xFFFF  }
0xbe: {  	[dreg:$0x0] =	wrdreg $0xFFFFFFFF;
	(pc) =	sbr.abs _section_cstart, $3  }
0xbf: {  	[dreg:$0x1] =	wrdreg $0xFFFFFFFF  }
0xc0: {  	_ =	task.clear_ibuf [dreg:s6], $0x2FFFF;
	_ =	strace $0x9FFFFFFF  }
0xc1: {  	(tm) =	ssettm $0x7FFFFFFF  }
tec
execute0_lowered:
.L_overlay_start_1:
0x0: {  	(tag) =	ssettag $0x1  }
0x1: {  	s7 =	rddreg [dreg:$0x0]  }
0x2: {  	s0 =	rddreg [dreg:$0x1];
	s2 =	simm.s32 $0x0;
	s4 =	srdreg.scid  }
0x3: {  	s1 =	stileid.u32;
	s14 =	simm.s32 $0x1;
	s15 =	simm.s32 $0x80  }
0x4: {  	s16 =	simm.s32 $0x400;
	s17 =	simm.s32 $0xC800;
	s18 =	simm.s32 $0xE800  }
0x5: {  	s19 =	simm.s32 $0x10800;
	s20 =	simm.s32 $0x0;
	[smem:$0x7FF] =	sst s2  }
0x6: {  	s3 =	sadd.s32 $0x242C00, s7;
	s8 =	sand.u32 $0x1, s4;
	s6 =	sshll.u32 s1, $0x1  }
0x7: {  	s4 =	sadd.s32 $0xC2C00, s7;
	s5 =	sadd.s32 $0x2C00, s7;
	s11 =	sshrl.u32 s1, $0x2  }
0x8: {  	_ =	strace $0x80000047;
	s9 =	sor.u32 s8, s6;
	s6 =	sadd.s32 $0x62C00, s7  }
0x9: {  	s8 =	ssub.s32 $0x2, s8;
	s11 =	smul.u32 $0x30000, s11;
	s10 =	sshll.u32 s9, $0x6  }
0xa: {  	s12 =	sshll.u32 s9, $0x7;
	s31 =	sshrl.u32 s8, $0x1;
	s10 =	sadd.s32 s10, s7  }
0xb: {  	s12 =	sand.u32 $0x380, s12;
	s13 =	ssub.s32 s8, s31;
	s7 =	smul.u32 $0x90000, s9  }
0xc: {  	s9 =	smul.u32 $0x18000, s9;
	s8 =	sor.u32 s12, s11;
	s10 =	sadd.s32 $0xDAC00, s10  }
0xd: {  	v0 =	vimm.f32 $0.0e+00;
	v1 =	vlaneseq.u32;
	s11 =	smax.u32 s13, $0x1;
	s12 =	simm.s32 $0x4000;
	s13 =	simm.s32 $0x30000  }
.LBB2_1:
0xe: {  	v2 =	vimm.f32 $0.0e+00  }
0xf: {  	s21 =	simm.s32 $0xA;
	p1 =	por $0x0, $0x0;
	v4 =	vimm.f32 $0.0e+00;
	v6 =	vimm.f32 $0.0e+00;
	v3 =	vimm.f32 $0.0e+00  }
.LBB2_2:
0x10: {  	s22 =	sshll.u32 s21, $0xE  }
0x11: {  	s23 =	sadd.s32 s7, s22  }
0x12: {  	s23 =	sshrl.u32 s23, $0x3  }
0x13: {  	s24 =	simm.s32 $0x0;
	s23 =	sadd.s32 s3, s23  }
0x14: {  	[tilespmem:s24], [sflag:$0x1] =	stream.strided.gather [hbm4b:s23+s12], $0xC000, s13, s12, $0x38;
	[tilespmem:$0x10A00] =	vst v63  }
0x15: {  	s22 =	sadd.s32 s8, s22;
	_ =	swait.ge [sflag:s14], $0xC000  }
0x16: {  	s28 =	simm.s32 $0xC000;
	s22 =	sshrl.u32 s22, $0x3;
	[sflag:s14] =	ssyncset.done $0x0  }
0x17: {  	s29 =	sshll.u32 s21, $0xD;
	s22 =	sadd.s32 s4, s22;
	[sflag:s14] =	ssyncadd.s32 $0xFFFF4000  }
0x18: {  	[tilespmem:s28], [sflag:$0x1] =	stream.strided.gather [hbm4b:s22+s15], $0x800, s16, s15, $0x38;
	[tilespmem:$0x10A00] =	vst v63  }
0x19: {  	s22 =	sadd.s32 s9, s29;
	_ =	swait.ge [sflag:s14], $0x800  }
0x1a: {  	s22 =	sshrl.u32 s22, $0x3;
	[sflag:s14] =	ssyncset.done $0x0  }
0x1b: {  	s25 =	sadd.s32 s5, s22;
	[sflag:s14] =	ssyncadd.s32 $0xFFFFF800  }
0x1c: {  	[tilespmem:s17], [sflag:$0x1] =	stream.linear.gather [hbm4b:s25+s24], $0x2000, $0x38;
	[tilespmem:$0x10A00] =	vst v63  }
0x1d: {  	_ =	swait.ge [sflag:s14], $0x2000  }
0x1e: {  	[sflag:s14] =	ssyncset.done $0x0  }
0x1f: {  	s22 =	sadd.s32 s6, s22;
	[sflag:s14] =	ssyncadd.s32 $0xFFFFE000  }
0x20: {  	[tilespmem:s18], [sflag:$0x1] =	stream.linear.gather [hbm4b:s22+s24], $0x2000, $0x38;
	[tilespmem:$0x10A00] =	vst v63  }
0x21: {  	s30 =	simm.s32 $0x0;
	_ =	swait.ge [sflag:s14], $0x2000  }
0x22: {  	s24 =	sand.u32 $0x70, s24;
	s22 =	sand.u32 $0x3FFFFC00, s30;
	[sflag:s14] =	ssyncset.done $0x0  }
0x23: {  	s22 =	sor.u32 s24, s22;
	[sflag:s14] =	ssyncadd.s32 $0xFFFFE000  }
0x24: {  	v5 =	vld [tilespmem:s22+$0x0]  }
0x25: {  	v7 =	vld [tilespmem:s28+$0x0]  }
0x26: {  	v8 =	vld [tilespmem:s22+$0x80]  }
0x27: {  	v9 =	vld [tilespmem:s22+$0x100]  }
0x28: {  	v11 =	vld [tilespmem:s22+$0x180]  }
0x29: {  	v35 =	vld [tilespmem:s22+$0x200]  }
0x2a: {  	s31 =	simm.s32 $0x0;
	v37 =	vld [tilespmem:s22+$0x300]  }
0x2b: {  	s23 =	sand.u32 $0xFFFFFE00, s31;
	v39 =	vld [tilespmem:s22+$0x380]  }
0x2c: {  	s23 =	sor.u32 s24, s23;
	v43 =	vld [tilespmem:s22+$0x4080];
	v10 =	vmul.f32 $1.442695020e+00, v5  }
0x2d: {  	v14 =	vld [tilespmem:s23+$0xC800]  }
0x2e: {  	v46 =	vld [tilespmem:s22+$0x4100];
	v12 =	vmul.f32 $1.442695020e+00, v8;
	(erf) = vpow2.f32 v10  }
0x2f: {  	v15 =	vld [tilespmem:s23+$0xE800];
	vm0 =	veq.s32 v7, $0x0;
	v13 =	vmul.f32 $1.442695020e+00, v9  }
0x30: {  	v16 =	vld [tilespmem:s23+$0xC880];
	v5 =	vnsel vm0, $0x0, v5;
	vm0 =	veq.s32 v7, $0x1;
	(erf) = vpow2.f32 v12  }
0x31: {  	v36 =	vmul.f32 $1.442695020e+00, v11;
	v5 =	vsel vm0, v8, v5;
	v8 =	vld [tilespmem:s22+$0x280]  }
0x32: {  	v51 =	vld [tilespmem:s22+$0x4200];
	v38 =	vmul.f32 $1.442695020e+00, v35;
	vm1 =	veq.s32 v7, $0x5;
	(erf) = vpow2.f32 v13  }
0x33: {  	v17 =	vld [tilespmem:s23+$0xE880];
	v42 =	vmul.f32 $1.442695020e+00, v37;
	v45 =	vmul.f32 $1.442695020e+00, v39;
	vm0 =	veq.s32 v7, $0x2  }
0x34: {  	v54 =	vld [tilespmem:s22+$0x4280];
	v5 =	vsel vm0, v9, v5;
	vm0 =	veq.s32 v7, $0x3;
	(erf) = vpow2.f32 v36  }
0x35: {  	v59 =	vld [tilespmem:s23+$0xC900];
	v50 =	vmul.f32 $1.442695020e+00, v43;
	v5 =	vsel vm0, v11, v5;
	vm0 =	veq.s32 v7, $0x4  }
0x36: {  	v63 =	vld [tilespmem:s22+$0x4380];
	v5 =	vsel vm0, v35, v5;
	(erf) = vpow2.f32 v38;
	v40 =	vmul.f32 $1.442695020e+00, v8  }
0x37: {  	v53 =	vmul.f32 $1.442695020e+00, v46;
	v57 =	vsub.f32 v14, v15;
	v5 =	vsel vm1, v8, v5;
	v8 =	vld [tilespmem:s22+$0x4000];
	v41 =	vpop (erf)  }
0x38: {  	v18 =	vld [tilespmem:s23+$0xE900];
	v60 =	vmul.f32 $1.442695020e+00, v51;
	(erf) = vpow2.f32 v40;
	v12 =	vadd.f32 $0.0e+00, v41  }
0x39: {  	v62 =	vsub.f32 v16, v17;
	vm0 =	veq.s32 v7, $0x6;
	vm1 =	veq.s32 v7, $0x7;
	v44 =	vpop (erf)  }
0x3a: {  	v5 =	vsel vm0, v37, v5;
	(erf) = vpow2.f32 v42;
	v10 =	vadd.f32 v44, v12  }
0x3b: {  	v19 =	vmul.f32 $1.442695020e+00, v54;
	vm0 =	veq.s32 v7, $0x8;
	v5 =	vsel vm1, v39, v5;
	v47 =	vpop (erf)  }
0x3c: {  	v48 =	vmul.f32 $1.442695020e+00, v8;
	(erf) = vpow2.f32 v45;
	v10 =	vadd.f32 v47, v10  }
0x3d: {  	v30 =	vmul.f32 $1.442695020e+00, v63;
	v31 =	vsub.f32 v59, v18;
	v5 =	vsel vm0, v8, v5;
	v8 =	vld [tilespmem:s22+$0x4180];
	v49 =	vpop (erf)  }
0x3e: {  	v61 =	vand.u32 $0x7FFFFFFF, v57;
	(erf) = vpow2.f32 v48;
	v10 =	vadd.f32 v49, v10  }
0x3f: {  	s29 =	sshll.u32 s21, $0xB;
	v14 =	vand.u32 $0x7FFFFFFF, v31;
	vm1 =	veq.s32 v7, $0x9;
	vm0 =	veq.s32 v7, $0xA;
	v52 =	vpop (erf)  }
0x40: {  	s21 =	ssub.s32 $0x5FF4, s29;
	v20 =	vld [tilespmem:s22+$0x8000];
	v5 =	vsel vm1, v43, v5;
	(erf) = vpow2.f32 v50;
	v10 =	vadd.f32 v52, v10  }
0x41: {  	v31 =	vmov s21;
	vm1 =	veq.s32 v7, $0xB;
	v5 =	vsel vm0, v46, v5;
	v55 =	vpop (erf)  }
0x42: {  	v56 =	vmul.f32 $1.442695020e+00, v8;
	(erf) = vpow2.f32 v53;
	v10 =	vadd.f32 v55, v10  }
0x43: {  	v25 =	vmul.f32 $5.000000000e-01, v61;
	v13 =	vand.u32 $0x7FFFFFFF, v62;
	v5 =	vsel vm1, v8, v5;
	v8 =	vld [tilespmem:s22+$0x4300];
	v58 =	vpop (erf)  }
0x44: {  	v29 =	vld [tilespmem:s22+$0x8080];
	v28 =	vmul.f32 $5.000000000e-01, v13;
	(erf) = vpow2.f32 v56;
	v10 =	vadd.f32 v58, v10  }
0x45: {  	v26 =	vadd.f32 $-5.000000000e-01, v61;
	v11 =	vmul.f32 v25, v61;
	v35 =	vmul.f32 $1.442695020e+00, v20;
	v24 =	vpop (erf)  }
0x46: {  	v32 =	vld [tilespmem:s22+$0x8100];
	vm1 =	veq.s32 v7, $0xC;
	(erf) = vpow2.f32 v60;
	v10 =	vadd.f32 v24, v10  }
0x47: {  	v36 =	vadd.f32 $-5.000000000e-01, v13;
	v5 =	vsel vm1, v51, v5;
	vm1 =	vlt.f32 v61, $1.000000000e+00;
	v21 =	vpop (erf)  }
0x48: {  	v37 =	vld [tilespmem:s22+$0x8180];
	v27 =	vmul.f32 $1.442695020e+00, v8;
	(erf) = vpow2.f32 v19;
	v10 =	vadd.f32 v21, v10  }
0x49: {  	v9 =	vmul.f32 v28, v13;
	v39 =	vmul.f32 $1.442695020e+00, v29;
	v11 =	vsel vm1, v11, v26;
	v22 =	vpop (erf)  }
0x4a: {  	v34 =	vld [tilespmem:s23+$0xC980];
	vm1 =	vlt.f32 v13, $1.000000000e+00;
	(erf) = vpow2.f32 v27;
	v10 =	vadd.f32 v22, v10  }
0x4b: {  	s26 =	simm.s32 $0x10;
	v23 =	vld [tilespmem:s23+$0xE980];
	v42 =	vmul.f32 $1.442695020e+00, v32;
	v43 =	vmul.f32 $5.000000000e-01, v14;
	v9 =	vsel vm1, v9, v36;
	v33 =	vpop (erf)  }
0x4c: {  	s25 =	simm.s32 $0x80;
	s23 =	sand.u32 $0x70, s26;
	v40 =	vld [tilespmem:s22+$0x8200];
	vm1 =	veq.s32 v7, $0xD;
	(erf) = vpow2.f32 v30;
	v10 =	vadd.f32 v33, v10  }
0x4d: {  	v45 =	vmul.f32 $1.442695020e+00, v37;
	vm0 =	veq.s32 v7, $0xF;
	s22 =	sand.u32 $0x3FFFFC00, s25;
	v5 =	vsel vm1, v54, v5;
	v38 =	vpop (erf)  }
0x4e: {  	s22 =	sor.u32 s23, s22;
	vm1 =	veq.s32 v7, $0xE;
	(erf) = vpow2.f32 v35;
	v10 =	vadd.f32 v38, v10  }
0x4f: {  	v46 =	vadd.f32 $-5.000000000e-01, v14;
	v12 =	vmul.f32 v43, v14;
	v59 =	vld [tilespmem:s22+$0x180];
	v5 =	vsel vm1, v8, v5;
	v41 =	vpop (erf)  }
0x50: {  	v61 =	vld [tilespmem:s22+$0x200];
	vm1 =	vlt.f32 v14, $1.000000000e+00;
	(erf) = vpow2.f32 v39;
	v10 =	vadd.f32 v41, v10  }
0x51: {  	v48 =	vmul.f32 $1.442695020e+00, v40;
	v12 =	vsel vm1, v12, v46;
	vm1 =	veq.s32 v7, $0x10;
	v44 =	vpop (erf)  }
0x52: {  	v55 =	vld [tilespmem:s22+$0x80];
	v5 =	vsel vm0, v63, v5;
	(erf) = vpow2.f32 v42;
	v10 =	vadd.f32 v44, v10  }
0x53: {  	vm0 =	veq.s32 v7, $0x11;
	v63 =	vld [tilespmem:s22+$0x280];
	v16 =	vsel vm1, v20, v5;
	vm1 =	veq.s32 v7, $0x12;
	v47 =	vpop (erf)  }
0x54: {  	v58 =	vld [tilespmem:s22+$0x100];
	v21 =	vsub.f32 v34, v23;
	(erf) = vpow2.f32 v45;
	v10 =	vadd.f32 v47, v10  }
0x55: {  	v54 =	vld [tilespmem:s22+$0x0];
	v14 =	vmul.f32 $1.442695020e+00, v59;
	v43 =	vmul.f32 $1.442695020e+00, v61;
	v16 =	vsel vm0, v29, v16;
	v8 =	vpop (erf)  }
0x56: {  	v30 =	vld [tilespmem:s22+$0x300];
	v49 =	vand.u32 $0x7FFFFFFF, v21;
	(erf) = vpow2.f32 v48;
	v8 =	vadd.f32 v8, v10  }
0x57: {  	s28 =	simm.s32 $0xC010;
	v56 =	vsel vm1, v32, v16;
	vm1 =	vgt.s32 v7, $0x0;
	v50 =	vmul.f32 $5.000000000e-01, v49;
	v51 =	vpop (erf)  }
0x58: {  	v5 =	vld [tilespmem:s28+$0x0];
	v17 =	vmul.f32 $1.442695020e+00, v55;
	v20 =	vmul.f32 $1.442695020e+00, v63;
	v8 =	vadd.f32 v51, v8  }
0x59: {  	v16 =	vmul.f32 $1.442695020e+00, v58;
	v52 =	vadd.f32 $-5.000000000e-01, v49;
	v53 =	vpop (erf);
	v10 =	vmul.f32 v50, v49  }
0x5a: {  	v21 =	vmul.f32 $1.442695020e+00, v54;
	vm0 =	vlt.f32 v49, $1.000000000e+00;
	v8 =	vadd.f32 v53, v8  }
0x5b: {  	s30 =	simm.s32 $0x40;
	v18 =	vmul.f32 $1.442695020e+00, v30;
	v57 =	vpop (erf);
	v10 =	vsel vm0, v10, v52;
	vm0 =	veq.s32 v7, $0x13  }
0x5c: {  	s24 =	sand.u32 $0xFFFFFE00, s30;
	v38 =	vld [tilespmem:s22+$0x4100];
	(erf) = vpow2.f32 v21;
	v13 =	vsel vm0, v37, v56;
	v8 =	vadd.f32 v57, v8  }
0x5d: {  	s23 =	sor.u32 s23, s24;
	v32 =	vld [tilespmem:s22+$0x380];
	v60 =	vpop (erf);
	vm0 =	veq.s32 v7, $0x14;
	v7 =	vsel vm1, $0x3F800000, v0;
	vm1 =	veq.s32 v5, $0x0  }
0x5e: {  	v25 =	vld [tilespmem:s23+$0xE800];
	v62 =	vnsel vm1, $0x0, v54;
	vm1 =	veq.s32 v5, $0x1;
	v8 =	vadd.f32 v60, v8  }
0x5f: {  	v35 =	vld [tilespmem:s23+$0xC800];
	v29 =	vpop (erf);
	v13 =	vsel vm0, v40, v13;
	vm0 =	veq.s32 v5, $0x2;
	v15 =	vsel vm1, v55, v62  }
0x60: {  	v37 =	vld [tilespmem:s22+$0x4080];
	v15 =	vsel vm0, v58, v15;
	vm0 =	veq.s32 v5, $0x3;
	v8 =	vadd.f32 v29, v8  }
0x61: {  	v21 =	vmul.f32 $1.442695020e+00, v38;
	v15 =	vsel vm0, v59, v15;
	vm0 =	vgt.u32 v31, v1  }
0x62: {  	v51 =	vmul.f32 $1.442695020e+00, v32;
	vm1 =	veq.s32 v5, $0x4;
	v23 =	vnsel vm0, $0x3F800000, v8  }
0x63: {  	v34 =	vld [tilespmem:s22+$0x4000];
	v15 =	vsel vm1, v61, v15;
	vm1 =	veq.s32 v5, $0x5;
	v24 =	vand.u32 $0x7FFFFF, v23  }
0x64: {  	v60 =	vld [tilespmem:s22+$0x4280];
	v33 =	vsel vm1, v63, v15;
	v15 =	vsub.f32 v35, v25;
	v36 =	vor.u32 $0x3F800000, v24  }
0x65: {  	v4 =	vadd.f32 v7, v4;
	v57 =	vmul.f32 $1.442695020e+00, v37;
	v26 =	vadd.f32 $1.000000000e+00, v36  }
0x66: {  	v27 =	vld [tilespmem:s23+$0xE880];
	v15 =	vand.u32 $0x7FFFFFFF, v15;
	v8 =	vadd.f32 v9, v11;
	vm0 =	veq.s32 v5, $0x6  }
0x67: {  	v39 =	vld [tilespmem:s23+$0xC880];
	v45 =	vadd.f32 $-5.000000000e-01, v15;
	v48 =	vmul.f32 $5.000000000e-01, v15;
	(erf) = vrcp.f32 v26  }
0x68: {  	v28 =	vld [tilespmem:s22+$0x4300];
	v11 =	vmul.f32 $1.442695020e+00, v34;
	v9 =	vsel vm0, v30, v33;
	(erf) = vpow2.f32 v17  }
0x69: {  	vm0 =	veq.s32 v5, $0x7;
	v30 =	vmul.f32 $1.442695020e+00, v60;
	v8 =	vadd.f32 v12, v8  }
0x6a: {  	v9 =	vsel vm0, v32, v9;
	vm0 =	veq.s32 v5, $0x8;
	(erf) = vpow2.f32 v16  }
0x6b: {  	v41 =	vld [tilespmem:s22+$0x4180];
	v40 =	vsel vm0, v34, v9;
	vm0 =	veq.s32 v5, $0x9;
	v12 =	vadd.f32 $-1.000000000e+00, v36  }
0x6c: {  	v42 =	vld [tilespmem:s22+$0x4200];
	v8 =	vadd.f32 v10, v8;
	v10 =	vsub.f32 v39, v27;
	(erf) = vpow2.f32 v14  }
0x6d: {  	v26 =	vsel vm0, v37, v40;
	vm0 =	veq.s32 v5, $0xA;
	v40 =	vmul.f32 $1.442695020e+00, v28  }
0x6e: {  	v9 =	vmul.f32 v8, v7;
	v8 =	vadd.f32 v13, v6;
	(erf) = vpow2.f32 v43  }
0x6f: {  	v46 =	vld [tilespmem:s23+$0xE900];
	v47 =	vpop (erf);
	v6 =	vsel vm0, v38, v26;
	vm0 =	veq.s32 v5, $0xB;
	v10 =	vand.u32 $0x7FFFFFFF, v10  }
0x70: {  	v44 =	vld [tilespmem:s23+$0xC900];
	v17 =	vmul.f32 $1.442695020e+00, v41;
	v16 =	vadd.f32 $0.0e+00, v47;
	(erf) = vpow2.f32 v20;
	v49 =	vpop (erf)  }
0x71: {  	v31 =	vld [tilespmem:s22+$0x4380];
	v13 =	vmul.f32 $1.442695020e+00, v42;
	v38 =	vshra.s32 v23, $0x17;
	v6 =	vsel vm0, v41, v6;
	v50 =	vpop (erf)  }
0x72: {  	vm0 =	veq.s32 v5, $0xC;
	(erf) = vpow2.f32 v18;
	v16 =	vadd.f32 v50, v16  }
0x73: {  	v54 =	vmul.f32 $5.000000000e-01, v10;
	v58 =	vadd.f32 $-5.000000000e-01, v10;
	v6 =	vsel vm0, v42, v6;
	v52 =	vpop (erf)  }
0x74: {  	v39 =	vld [tilespmem:s22+$0x8000];
	vm0 =	vlt.f32 v15, $1.000000000e+00;
	(erf) = vpow2.f32 v51;
	v16 =	vadd.f32 v52, v16  }
0x75: {  	v15 =	vmul.f32 v48, v15;
	v14 =	vsub.f32 v44, v46;
	v42 =	vadd.s32 $0xFFFFFF81, v38;
	v55 =	vpop (erf)  }
0x76: {  	v44 =	vmul.f32 $1.442695020e+00, v31;
	(erf) = vpow2.f32 v11;
	v16 =	vadd.f32 v55, v16  }
0x77: {  	v9 =	vadd.f32 v9, v2;
	v25 =	vmul.f32 v54, v10;
	v19 =	vcvt.s32.f32 v42;
	v59 =	vpop (erf)  }
0x78: {  	v12 =	vmul.f32 v49, v12;
	(erf) = vpow2.f32 v57;
	v16 =	vadd.f32 v59, v16  }
0x79: {  	v47 =	vmul.f32 $1.442695020e+00, v39;
	v14 =	vand.u32 $0x7FFFFFFF, v14;
	v15 =	vsel vm0, v15, v45;
	v62 =	vpop (erf)  }
0x7a: {  	v53 =	vmul.f32 v12, v12;
	(erf) = vpow2.f32 v21;
	v16 =	vadd.f32 v62, v16  }
0x7b: {  	vm0 =	vlt.f32 v10, $1.000000000e+00;
	v61 =	vmul.f32 $5.000000000e-01, v14;
	v33 =	vadd.f32 $-5.000000000e-01, v14;
	v29 =	vpop (erf)  }
0x7c: {  	v43 =	vld [tilespmem:s22+$0x8080];
	v56 =	vmul.f32 $1.428571490e-01, v53;
	(erf) = vpow2.f32 v17;
	v16 =	vadd.f32 v29, v16  }
0x7d: {  	v19 =	vmul.f32 $6.931471820e-01, v19;
	v11 =	vsel vm0, v25, v58;
	vm0 =	veq.s32 v5, $0xD;
	v32 =	vpop (erf)  }
0x7e: {  	v20 =	vadd.f32 $2.000000030e-01, v56;
	(erf) = vpow2.f32 v13;
	v16 =	vadd.f32 v32, v16  }
0x7f: {  	v34 =	vld [tilespmem:s23+$0xC980];
	v18 =	vmul.f32 v61, v14;
	v6 =	vsel vm0, v60, v6;
	vm0 =	veq.s32 v5, $0xE;
	v37 =	vpop (erf)  }
0x80: {  	v36 =	vld [tilespmem:s23+$0xE980];
	v63 =	vmul.f32 v20, v53;
	(erf) = vpow2.f32 v30;
	v16 =	vadd.f32 v37, v16  }
0x81: {  	v50 =	vmul.f32 $1.442695020e+00, v43;
	v6 =	vsel vm0, v28, v6;
	vm0 =	vlt.f32 v14, $1.000000000e+00;
	v41 =	vpop (erf)  }
0x82: {  	v46 =	vld [tilespmem:s22+$0x8100];
	v10 =	vadd.f32 $3.333333430e-01, v63;
	(erf) = vpow2.f32 v40;
	v16 =	vadd.f32 v41, v16  }
0x83: {  	v12 =	vadd.f32 v12, v12;
	v35 =	vsel vm0, v18, v33;
	vm0 =	veq.s32 v5, $0xF;
	v45 =	vpop (erf)  }
0x84: {  	v10 =	vmul.f32 v10, v53;
	(erf) = vpow2.f32 v44;
	v16 =	vadd.f32 v45, v16  }
0x85: {  	v11 =	vadd.f32 v11, v15;
	v14 =	vsub.f32 v34, v36;
	v6 =	vsel vm0, v31, v6;
	v48 =	vpop (erf)  }
0x86: {  	v10 =	vadd.f32 $1.000000000e+00, v10;
	(erf) = vpow2.f32 v47;
	v49 =	vadd.f32 v48, v16  }
0x87: {  	vm0 =	veq.s32 v5, $0x10;
	v14 =	vand.u32 $0x7FFFFFFF, v14;
	v53 =	vmul.f32 $1.442695020e+00, v46;
	v51 =	vpop (erf)  }
0x88: {  	v10 =	vmul.f32 v10, v12;
	(erf) = vpow2.f32 v50;
	v12 =	vadd.f32 v51, v49  }
0x89: {  	v58 =	vld [tilespmem:s22+$0x8200];
	v11 =	vadd.f32 v35, v11;
	v52 =	vmul.f32 $5.000000000e-01, v14;
	v6 =	vsel vm0, v39, v6;
	v54 =	vpop (erf)  }
0x8a: {  	v55 =	vld [tilespmem:s22+$0x8180];
	vm0 =	veq.s32 v5, $0x11;
	(erf) = vpow2.f32 v53;
	v12 =	vadd.f32 v54, v12  }
0x8b: {  	v57 =	vadd.f32 $-5.000000000e-01, v14;
	v56 =	vmul.f32 v52, v14;
	v7 =	vadd.f32 v10, v19;
	v59 =	vpop (erf)  }
0x8c: {  	v6 =	vsel vm0, v43, v6;
	vm0 =	vlt.f32 v14, $1.000000000e+00;
	v10 =	vadd.f32 v59, v12  }
0x8d: {  	s22 =	simm.s32 $0xC020;
	v14 =	vsel vm0, v56, v57;
	vm0 =	veq.s32 v5, $0x12;
	v2 =	vadd.f32 v7, v3;
	v3 =	vpop (erf)  }
0x8e: {  	v61 =	vmul.f32 $1.442695020e+00, v58;
	v7 =	vsel vm0, v46, v6;
	v6 =	vld [tilespmem:s22+$0x0];
	v3 =	vadd.f32 v3, v10  }
0x8f: {  	v60 =	vmul.f32 $1.442695020e+00, v55;
	v11 =	vadd.f32 v14, v11;
	vm0 =	veq.s32 v5, $0x13;
	v62 =	vpop (erf)  }
0x90: {  	v7 =	vsel vm0, v55, v7;
	vm0 =	vgt.s32 v5, $0x0;
	v3 =	vadd.f32 v62, v3  }
0x91: {  	(erf) = vpow2.f32 v60;
	v63 =	vsel vm0, $0x3F800000, v0;
	vm0 =	veq.s32 v5, $0x14;
	v5 =	vpop (erf)  }
0x92: {  	s31 =	simm.s32 $0x80;
	v11 =	vmul.f32 v11, v63;
	v5 =	vadd.f32 v5, v3;
	v3 =	vsel vm0, v58, v7  }
0x93: {  	p0 =	por p1, p1;
	s26 =	sand.u32 $0xFFFFFE00, s31;
	v4 =	vadd.f32 v63, v4;
	vm1 =	veq.s32 v6, $0x13;
	v7 =	vpop (erf);
	v3 =	vadd.f32 v3, v8  }
0x94: {  	s25 =	simm.s32 $0x100;
	s24 =	simm.s32 $0x20;
	s23 =	simm.s32 $0x3;
	(erf) = vpow2.f32 v61;
	v7 =	vadd.f32 v7, v5;
	v5 =	vadd.f32 v11, v9  }
.LBB2_3:
0x95: {  	s28 =	sand.u32 $0x70, s24  }
0x96: {  	s25 =	sand.u32 $0x3FFFFC00, s25;
	s26 =	sor.u32 s28, s26  }
0x97: {  	s25 =	sor.u32 s28, s25;
	v31 =	vld [tilespmem:s26+$0xC800]  }
0x98: {  	v11 =	vld [tilespmem:s25+$0x80]  }
0x99: {  	v33 =	vld [tilespmem:s26+$0xE800]  }
0x9a: {  	v12 =	vld [tilespmem:s25+$0x100]  }
0x9b: {  	v16 =	vld [tilespmem:s25+$0x180]  }
0x9c: {  	vm2 =	veq.s32 v6, $0x11;
	v35 =	vld [tilespmem:s25+$0x200]  }
0x9d: {  	vm0 =	veq.s32 v6, $0x12;
	v10 =	vimm.s32 $0x0;
	vm4 =	veq.s32 v6, $0xF;
	v38 =	vld [tilespmem:s25+$0x280];
	v8 =	vpop (erf)  }
0x9e: {  	vm3 =	veq.s32 v6, $0x10;
	vm7 =	veq.s32 v6, $0xC;
	v41 =	vld [tilespmem:s25+$0x300];
	v7 =	vadd.f32 v8, v7  }
0x9f: {  	vm6 =	veq.s32 v6, $0xD;
	vm5 =	veq.s32 v6, $0xE;
	s21 =	sadd.s32 $0xFFFFFFF0, s21;
	vm8 =	veq.s32 v6, $0xB;
	v8 =	vld [tilespmem:s25+$0x0];
	v9 =	vpop (erf)  }
0xa0: {  	vm11 =	veq.s32 v6, $0x9;
	v32 =	vmov s21;
	v44 =	vld [tilespmem:s25+$0x380];
	v7 =	vadd.f32 v9, v7  }
0xa1: {  	vm9 =	veq.s32 v6, $0xA;
	vm13 =	veq.s32 v6, $0x7;
	vm10 =	vgt.u32 v32, v1;
	v46 =	vld [tilespmem:s25+$0x4000]  }
0xa2: {  	vm12 =	veq.s32 v6, $0x8;
	v49 =	vld [tilespmem:s25+$0x4080];
	v18 =	vmul.f32 $1.442695020e+00, v11;
	v7 =	vnsel vm10, $0x3F800000, v7  }
0xa3: {  	v51 =	vld [tilespmem:s25+$0x4100];
	v36 =	vmul.f32 $1.442695020e+00, v12;
	v39 =	vmul.f32 $1.442695020e+00, v16;
	v13 =	vand.u32 $0x7FFFFF, v7  }
0xa4: {  	v55 =	vld [tilespmem:s25+$0x4180];
	v42 =	vmul.f32 $1.442695020e+00, v35;
	v14 =	vmul.f32 $1.442695020e+00, v8;
	v13 =	vor.u32 $0x3F800000, v13  }
0xa5: {  	v59 =	vld [tilespmem:s25+$0x4200];
	v24 =	vmul.f32 $1.442695020e+00, v38;
	v22 =	vmul.f32 $1.442695020e+00, v41;
	v17 =	vadd.f32 $1.000000000e+00, v13  }
0xa6: {  	vm14 =	veq.s32 v6, $0x6;
	v25 =	vld [tilespmem:s25+$0x4280];
	v50 =	vmul.f32 $1.442695020e+00, v44;
	(erf) = vpow2.f32 v14  }
0xa7: {  	vm15 =	veq.s32 v6, $0x5;
	v54 =	vmul.f32 $1.442695020e+00, v46;
	(erf) = vrcp.f32 v17  }
0xa8: {  	v10 =	vsel vm0, $0xFFFFFFFF, v10;
	v26 =	vmul.f32 $1.442695020e+00, v49;
	(erf) = vpow2.f32 v18  }
0xa9: {  	v15 =	vld [tilespmem:s26+$0xC880];
	v62 =	vmul.f32 $1.442695020e+00, v51;
	v27 =	vmul.f32 $1.442695020e+00, v55;
	v9 =	vsub.f32 v31, v33  }
0xaa: {  	vm0 =	veq.s32 v6, $0x4;
	v34 =	vld [tilespmem:s26+$0xE880];
	v30 =	vmul.f32 $1.442695020e+00, v59;
	(erf) = vpow2.f32 v36  }
0xab: {  	v37 =	vld [tilespmem:s26+$0xC900];
	v31 =	vmul.f32 $1.442695020e+00, v25;
	vm10 =	veq.s32 v6, $0x0;
	v9 =	vand.u32 $0x7FFFFFFF, v9  }
0xac: {  	v40 =	vld [tilespmem:s26+$0xE900];
	v8 =	vnsel vm10, $0x0, v8;
	vm10 =	veq.s32 v6, $0x1;
	(erf) = vpow2.f32 v39  }
0xad: {  	v43 =	vld [tilespmem:s26+$0xC980];
	v19 =	vmul.f32 $5.000000000e-01, v9;
	v20 =	vadd.f32 $-5.000000000e-01, v9;
	v7 =	vshra.s32 v7, $0x17  }
0xae: {  	v45 =	vld [tilespmem:s26+$0xE980];
	v8 =	vsel vm10, v11, v8;
	vm10 =	veq.s32 v6, $0x2;
	(erf) = vpow2.f32 v42  }
0xaf: {  	v8 =	vsel vm10, v12, v8;
	vm10 =	veq.s32 v6, $0x3;
	v13 =	vadd.f32 $-1.000000000e+00, v13;
	v47 =	vpop (erf)  }
0xb0: {  	v8 =	vsel vm10, v16, v8;
	(erf) = vpow2.f32 v24;
	v16 =	vadd.f32 $0.0e+00, v47;
	v48 =	vpop (erf)  }
0xb1: {  	v11 =	vsub.f32 v15, v34;
	v7 =	vadd.s32 $0xFFFFFF81, v7;
	v12 =	vsub.f32 v37, v40;
	v23 =	vpop (erf)  }
0xb2: {  	v13 =	vmul.f32 v48, v13;
	(erf) = vpow2.f32 v22;
	v16 =	vadd.f32 v23, v16  }
0xb3: {  	v14 =	vsub.f32 v43, v45;
	v7 =	vcvt.s32.f32 v7;
	vm10 =	vlt.f32 v9, $1.000000000e+00;
	v52 =	vpop (erf)  }
0xb4: {  	(erf) = vpow2.f32 v50;
	v53 =	vmul.f32 v13, v13;
	v16 =	vadd.f32 v52, v16  }
0xb5: {  	v9 =	vmul.f32 v19, v9;
	v11 =	vand.u32 $0x7FFFFFFF, v11;
	v8 =	vsel vm0, v35, v8;
	v57 =	vpop (erf)  }
0xb6: {  	(erf) = vpow2.f32 v54;
	v58 =	vmul.f32 $1.428571490e-01, v53;
	v16 =	vadd.f32 v57, v16  }
0xb7: {  	v21 =	vmul.f32 $5.000000000e-01, v11;
	v12 =	vand.u32 $0x7FFFFFFF, v12;
	v60 =	vadd.f32 $-5.000000000e-01, v11;
	v61 =	vpop (erf)  }
0xb8: {  	(erf) = vpow2.f32 v26;
	v23 =	vadd.f32 $2.000000030e-01, v58;
	v16 =	vadd.f32 v61, v16  }
0xb9: {  	v14 =	vand.u32 $0x7FFFFFFF, v14;
	v7 =	vmul.f32 $6.931471820e-01, v7;
	v8 =	vsel vm15, v38, v8;
	v26 =	vpop (erf)  }
0xba: {  	v28 =	vld [tilespmem:s25+$0x4300];
	(erf) = vpow2.f32 v62;
	v23 =	vmul.f32 v23, v53;
	v16 =	vadd.f32 v26, v16  }
0xbb: {  	vm15 =	vlt.f32 v11, $1.000000000e+00;
	v8 =	vsel vm14, v41, v8;
	v56 =	vmul.f32 v21, v11;
	v29 =	vpop (erf)  }
0xbc: {  	v32 =	vld [tilespmem:s25+$0x4380];
	(erf) = vpow2.f32 v27;
	v23 =	vadd.f32 $3.333333430e-01, v23;
	v11 =	vadd.f32 v29, v16  }
0xbd: {  	v63 =	vmul.f32 $5.000000000e-01, v12;
	v9 =	vsel vm10, v9, v20;
	v8 =	vsel vm13, v44, v8;
	v33 =	vpop (erf)  }
0xbe: {  	v34 =	vld [tilespmem:s25+$0x8000];
	(erf) = vpow2.f32 v30;
	v22 =	vmul.f32 v23, v53;
	v11 =	vadd.f32 v33, v11  }
0xbf: {  	v36 =	vmul.f32 $1.442695020e+00, v28;
	v8 =	vsel vm12, v46, v8;
	v13 =	vadd.f32 v13, v13;
	v35 =	vpop (erf)  }
0xc0: {  	v37 =	vld [tilespmem:s25+$0x8080];
	(erf) = vpow2.f32 v31;
	v22 =	vadd.f32 $1.000000000e+00, v22;
	v11 =	vadd.f32 v35, v11  }
0xc1: {  	vm0 =	vlt.f32 v12, $1.000000000e+00;
	v39 =	vmul.f32 $1.442695020e+00, v32;
	v8 =	vsel vm11, v49, v8;
	v38 =	vpop (erf)  }
0xc2: {  	(erf) = vpow2.f32 v36;
	v13 =	vmul.f32 v22, v13;
	v11 =	vadd.f32 v38, v11  }
0xc3: {  	v40 =	vld [tilespmem:s25+$0x8100];
	v18 =	vmul.f32 v63, v12;
	v42 =	vmul.f32 $1.442695020e+00, v34;
	v8 =	vsel vm9, v51, v8;
	v41 =	vpop (erf)  }
0xc4: {  	v46 =	vld [tilespmem:s25+$0x8200];
	(erf) = vpow2.f32 v39;
	v7 =	vadd.f32 v13, v7;
	v11 =	vadd.f32 v41, v11  }
0xc5: {  	v45 =	vmul.f32 $1.442695020e+00, v37;
	v17 =	vsel vm15, v56, v60;
	v8 =	vsel vm8, v55, v8;
	v44 =	vpop (erf)  }
0xc6: {  	(erf) = vpow2.f32 v42;
	v2 =	vadd.f32 v7, v2;
	v7 =	vadd.f32 v44, v11  }
0xc7: {  	v9 =	vadd.f32 v17, v9;
	v8 =	vsel vm7, v59, v8;
	v47 =	vadd.f32 $-5.000000000e-01, v12;
	v49 =	vpop (erf)  }
0xc8: {  	v43 =	vld [tilespmem:s25+$0x8180];
	v50 =	vmul.f32 $1.442695020e+00, v40;
	(erf) = vpow2.f32 v45;
	v7 =	vadd.f32 v49, v7  }
0xc9: {  	[tilespmem:$0x1FFF0] =	vst v10;
	v8 =	vsel vm6, v25, v8;
	v56 =	vmul.f32 $1.442695020e+00, v46;
	v48 =	vmul.f32 $5.000000000e-01, v14;
	v51 =	vpop (erf)  }
0xca: {  	v12 =	vsel vm0, v18, v47;
	v61 =	vld [tilespmem:$0x1FFF0];
	(erf) = vpow2.f32 v50;
	v7 =	vadd.f32 v51, v7  }
0xcb: {  	v8 =	vsel vm5, v28, v8;
	vm0 =	vlt.f32 v14, $1.000000000e+00;
	v9 =	vadd.f32 v12, v9;
	v55 =	vpop (erf)  }
0xcc: {  	v8 =	vsel vm4, v32, v8;
	v54 =	vadd.f32 $-5.000000000e-01, v14;
	v7 =	vadd.f32 v55, v7  }
0xcd: {  	s22 =	sadd.s32 $0x10, s22;
	v8 =	vsel vm3, v34, v8;
	v52 =	vmul.f32 $1.442695020e+00, v43;
	v53 =	vmul.f32 v48, v14;
	v57 =	vpop (erf)  }
0xce: {  	v8 =	vsel vm2, v37, v8;
	vm2 =	vgt.s32 v6, $0x0;
	v58 =	vld [tilespmem:s22+$0x0];
	v7 =	vadd.f32 v57, v7  }
0xcf: {  	p1 =	sne.s32 s23, $0x7F;
	v62 =	vsel vm2, $0x3F800000, v0;
	v59 =	vsel vm0, v53, v54;
	vm0 =	vnez.u8 v61;
	v60 =	vpop (erf)  }
.Ltmp0:
0xd0: {  	v8 =	vsel vm0, v40, v8;
	v9 =	vadd.f32 v59, v9;
	v7 =	vadd.f32 v60, v7;
	(pc) =	sbr.rel @p1 .LBB2_3-.Ltmp0, $4  }
0xd1: {  	v4 =	vadd.f32 v62, v4;
	vm0 =	veq.s32 v6, $0x14;
	v8 =	vsel vm1, v43, v8;
	v63 =	vpop (erf)  }
0xd2: {  	v8 =	vsel vm0, v46, v8;
	v9 =	vmul.f32 v9, v62;
	v7 =	vadd.f32 v63, v7  }
0xd3: {  	s31 =	sshll.u32 s23, $0x6;
	s24 =	sadd.s32 $0x10, s24;
	vm1 =	veq.s32 v58, $0x13;
	v3 =	vadd.f32 v8, v3;
	(erf) = vpow2.f32 v52;
	v6 =	vpop (erf)  }
0xd4: {  	s26 =	sand.u32 $0xFFFFFE00, s31;
	s25 =	sshll.u32 s23, $0x7;
	s23 =	sadd.s32 $0x1, s23;
	v5 =	vadd.f32 v9, v5;
	(erf) = vpow2.f32 v56;
	v7 =	vadd.f32 v6, v7;
	v6 =	vmovc v58  }
0xd5: {  	_ =	sdelay $0x6  }
0xd6: {  	s22 =	sand.u32 $0x70, s24;
	s23 =	sand.u32 $0x3FFFFC00, s25;
	v8 =	vpop (erf)  }
0xd7: {  	s23 =	sor.u32 s22, s23;
	v7 =	vadd.f32 v8, v7  }
0xd8: {  	s21 =	sadd.s32 $0xFFFFFFF0, s21;
	v17 =	vld [tilespmem:s23+$0x0];
	v8 =	vpop (erf)  }
0xd9: {  	v7 =	vadd.f32 v8, v7;
	v8 =	vmov s21  }
0xda: {  	v18 =	vld [tilespmem:s23+$0x80];
	vm0 =	vgt.u32 v8, v1  }
0xdb: {  	v7 =	vnsel vm0, $0x3F800000, v7  }
0xdc: {  	v19 =	vld [tilespmem:s23+$0x100];
	v8 =	vand.u32 $0x7FFFFF, v7  }
0xdd: {  	v9 =	vmul.f32 $1.442695020e+00, v17;
	v11 =	vor.u32 $0x3F800000, v8  }
0xde: {  	v20 =	vld [tilespmem:s23+$0x180];
	v8 =	vadd.f32 $1.000000000e+00, v11  }
0xdf: {  	v21 =	vld [tilespmem:s23+$0x200];
	v10 =	vmul.f32 $1.442695020e+00, v18;
	(erf) = vpow2.f32 v9  }
0xe0: {  	(erf) = vrcp.f32 v8  }
0xe1: {  	v8 =	vmul.f32 $1.442695020e+00, v19;
	(erf) = vpow2.f32 v10  }
0xe2: {  	v22 =	vld [tilespmem:s23+$0x280]  }
0xe3: {  	v60 =	vmul.f32 $1.442695020e+00, v20;
	(erf) = vpow2.f32 v8  }
0xe4: {  	v23 =	vld [tilespmem:s23+$0x300];
	v8 =	vmul.f32 $1.442695020e+00, v21  }
0xe5: {  	(erf) = vpow2.f32 v60  }
0xe6: {  	v24 =	vld [tilespmem:s23+$0x380]  }
0xe7: {  	v61 =	vmul.f32 $1.442695020e+00, v22;
	(erf) = vpow2.f32 v8  }
0xe8: {  	v25 =	vld [tilespmem:s23+$0x4000];
	v8 =	vpop (erf)  }
0xe9: {  	v62 =	vmul.f32 $1.442695020e+00, v23;
	(erf) = vpow2.f32 v61;
	v8 =	vadd.f32 $0.0e+00, v8;
	v26 =	vpop (erf)  }
0xea: {  	v27 =	vld [tilespmem:s23+$0x4080];
	v63 =	vpop (erf)  }
0xeb: {  	v12 =	vmul.f32 $1.442695020e+00, v24;
	(erf) = vpow2.f32 v62;
	v8 =	vadd.f32 v63, v8  }
0xec: {  	v28 =	vld [tilespmem:s23+$0x4100];
	v13 =	vpop (erf)  }
0xed: {  	v14 =	vmul.f32 $1.442695020e+00, v25;
	(erf) = vpow2.f32 v12;
	v8 =	vadd.f32 v13, v8  }
0xee: {  	v29 =	vld [tilespmem:s23+$0x4180];
	v15 =	vpop (erf)  }
0xef: {  	v16 =	vmul.f32 $1.442695020e+00, v27;
	(erf) = vpow2.f32 v14;
	v8 =	vadd.f32 v15, v8  }
0xf0: {  	v30 =	vld [tilespmem:s23+$0x4200];
	v32 =	vpop (erf)  }
0xf1: {  	v33 =	vmul.f32 $1.442695020e+00, v28;
	(erf) = vpow2.f32 v16;
	v8 =	vadd.f32 v32, v8  }
0xf2: {  	v16 =	vld [tilespmem:s23+$0x4280];
	v34 =	vpop (erf)  }
0xf3: {  	v35 =	vmul.f32 $1.442695020e+00, v29;
	(erf) = vpow2.f32 v33;
	v8 =	vadd.f32 v34, v8  }
0xf4: {  	v15 =	vld [tilespmem:s23+$0x4300];
	v36 =	vpop (erf)  }
0xf5: {  	v37 =	vmul.f32 $1.442695020e+00, v30;
	(erf) = vpow2.f32 v35;
	v8 =	vadd.f32 v36, v8  }
0xf6: {  	v14 =	vld [tilespmem:s23+$0x4380];
	v38 =	vpop (erf)  }
0xf7: {  	v12 =	vmul.f32 $1.442695020e+00, v16;
	(erf) = vpow2.f32 v37;
	v8 =	vadd.f32 v38, v8  }
0xf8: {  	v13 =	vld [tilespmem:s23+$0x8000];
	v39 =	vpop (erf)  }
0xf9: {  	v40 =	vmul.f32 $1.442695020e+00, v15;
	(erf) = vpow2.f32 v12;
	v8 =	vadd.f32 v39, v8  }
0xfa: {  	v12 =	vld [tilespmem:s23+$0x8080];
	v41 =	vpop (erf)  }
0xfb: {  	v31 =	vmul.f32 $1.442695020e+00, v14;
	(erf) = vpow2.f32 v40;
	v8 =	vadd.f32 v41, v8  }
0xfc: {  	v10 =	vld [tilespmem:s23+$0x8100];
	v42 =	vpop (erf)  }
0xfd: {  	v32 =	vmul.f32 $1.442695020e+00, v13;
	(erf) = vpow2.f32 v31;
	v9 =	vadd.f32 v42, v8  }
0xfe: {  	v43 =	vpop (erf);
	v8 =	vld [tilespmem:s23+$0x8180]  }
0xff: {  	v33 =	vmul.f32 $1.442695020e+00, v12;
	(erf) = vpow2.f32 v32;
	v31 =	vadd.f32 v43, v9  }
0x100: {  	v44 =	vpop (erf);
	v9 =	vld [tilespmem:s23+$0x8200]  }
0x101: {  	v45 =	vmul.f32 $1.442695020e+00, v10;
	(erf) = vpow2.f32 v33;
	v31 =	vadd.f32 v44, v31  }
0x102: {  	v46 =	vpop (erf)  }
0x103: {  	(erf) = vpow2.f32 v45;
	v47 =	vmul.f32 $1.442695020e+00, v8;
	v31 =	vadd.f32 v46, v31  }
0x104: {  	v48 =	vpop (erf)  }
0x105: {  	v49 =	vmul.f32 $1.442695020e+00, v9;
	(erf) = vpow2.f32 v47;
	v31 =	vadd.f32 v48, v31  }
0x106: {  	v50 =	vpop (erf)  }
0x107: {  	(erf) = vpow2.f32 v49;
	v31 =	vadd.f32 v50, v31  }
0x108: {  	v51 =	vpop (erf)  }
0x109: {  	v31 =	vadd.f32 v51, v31  }
0x10a: {  	v52 =	vpop (erf)  }
0x10b: {  	v31 =	vadd.f32 v52, v31  }
0x10c: {  	v53 =	vpop (erf)  }
0x10d: {  	vm15 =	veq.s32 v6, $0x0;
	v54 =	vadd.f32 v53, v31  }
0x10e: {  	vm4 =	veq.s32 v6, $0x1;
	v17 =	vnsel vm15, $0x0, v17;
	v55 =	vpop (erf)  }
0x10f: {  	vm5 =	veq.s32 v6, $0x2;
	v17 =	vsel vm4, v18, v17;
	v18 =	vadd.f32 v55, v54  }
0x110: {  	vm6 =	veq.s32 v6, $0x3;
	vm2 =	veq.s32 v6, $0x4;
	vm7 =	veq.s32 v6, $0x5;
	s21 =	sadd.s32 $0xFFFFFFF0, s21;
	v57 =	vpop (erf)  }
0x111: {  	v17 =	vsel vm5, v19, v17;
	v59 =	vmov s21;
	v18 =	vadd.f32 v57, v18  }
0x112: {  	vm8 =	veq.s32 v6, $0x6;
	v17 =	vsel vm6, v20, v17;
	vm9 =	vgt.u32 v59, v1  }
0x113: {  	vm10 =	veq.s32 v6, $0x7;
	v17 =	vsel vm2, v21, v17;
	v18 =	vnsel vm9, $0x3F800000, v18  }
0x114: {  	vm11 =	veq.s32 v6, $0x9;
	s22 =	sor.u32 s22, s26;
	v17 =	vsel vm7, v22, v17;
	v62 =	vand.u32 $0x7FFFFF, v18  }
0x115: {  	vm12 =	veq.s32 v6, $0x8;
	v56 =	vld [tilespmem:s22+$0xC800];
	v17 =	vsel vm8, v23, v17;
	v23 =	vor.u32 $0x3F800000, v62  }
0x116: {  	vm13 =	veq.s32 v6, $0xA;
	vm14 =	veq.s32 v6, $0xC;
	v58 =	vld [tilespmem:s22+$0xE800];
	v31 =	vadd.f32 $1.000000000e+00, v23  }
0x117: {  	vm15 =	veq.s32 v6, $0xB;
	vm4 =	veq.s32 v6, $0xD;
	v11 =	vadd.f32 $-1.000000000e+00, v11;
	v60 =	vld [tilespmem:s22+$0xC880]  }
0x118: {  	vm8 =	veq.s32 v6, $0xE;
	v7 =	vshra.s32 v7, $0x17;
	v61 =	vld [tilespmem:s22+$0xE880];
	(erf) = vrcp.f32 v31  }
0x119: {  	v17 =	vsel vm10, v24, v17;
	v7 =	vadd.s32 $0xFFFFFF81, v7;
	v11 =	vmul.f32 v26, v11  }
0x11a: {  	vm10 =	veq.s32 v6, $0x10;
	v17 =	vsel vm12, v25, v17;
	v7 =	vcvt.s32.f32 v7  }
0x11b: {  	v17 =	vsel vm11, v27, v17;
	vm11 =	veq.s32 v6, $0x11;
	v34 =	vmul.f32 v11, v11  }
0x11c: {  	v19 =	vsub.f32 v56, v58;
	v17 =	vsel vm13, v28, v17;
	v7 =	vmul.f32 $6.931471820e-01, v7  }
0x11d: {  	v17 =	vsel vm15, v29, v17;
	v63 =	vld [tilespmem:s22+$0xC900];
	v20 =	vsub.f32 v60, v61;
	v37 =	vmul.f32 $1.428571490e-01, v34  }
0x11e: {  	vm13 =	veq.s32 v6, $0x12;
	v19 =	vand.u32 $0x7FFFFFFF, v19;
	v17 =	vsel vm14, v30, v17;
	v32 =	vld [tilespmem:s22+$0xE900]  }
0x11f: {  	vm5 =	vlt.f32 v19, $1.000000000e+00;
	v20 =	vand.u32 $0x7FFFFFFF, v20;
	v25 =	vadd.f32 $2.000000030e-01, v37  }
0x120: {  	vm6 =	vlt.f32 v20, $1.000000000e+00;
	v16 =	vsel vm4, v16, v17;
	v23 =	vadd.f32 $-1.000000000e+00, v23  }
0x121: {  	v35 =	vadd.f32 $-5.000000000e-01, v19;
	v36 =	vmul.f32 $5.000000000e-01, v20;
	v25 =	vmul.f32 v25, v34;
	v44 =	vpop (erf)  }
0x122: {  	v11 =	vadd.f32 v11, v11;
	v33 =	vmul.f32 $5.000000000e-01, v19;
	v17 =	vmul.f32 v44, v23  }
0x123: {  	v40 =	vld [tilespmem:s22+$0xC980];
	v39 =	vmul.f32 v36, v20;
	v21 =	vsub.f32 v63, v32;
	v46 =	vadd.f32 $3.333333430e-01, v25  }
0x124: {  	v15 =	vsel vm8, v15, v16;
	v42 =	vld [tilespmem:s22+$0xE980];
	v22 =	vmul.f32 v33, v19;
	v48 =	vmul.f32 v17, v17  }
0x125: {  	v41 =	vadd.f32 $-5.000000000e-01, v20;
	v38 =	vand.u32 $0x7FFFFFFF, v21;
	v19 =	vmul.f32 v46, v34  }
0x126: {  	v22 =	vsel vm5, v22, v35;
	v43 =	vmul.f32 $5.000000000e-01, v38;
	v50 =	vmul.f32 $1.428571490e-01, v48  }
0x127: {  	v45 =	vadd.f32 $-5.000000000e-01, v38;
	v19 =	vadd.f32 $1.000000000e+00, v19;
	vm9 =	veq.s32 v6, $0xF  }
0x128: {  	v20 =	vmul.f32 v43, v38;
	v14 =	vsel vm9, v14, v15;
	v15 =	vadd.f32 $2.000000030e-01, v50  }
0x129: {  	vm7 =	vlt.f32 v38, $1.000000000e+00;
	v49 =	vsub.f32 v40, v42;
	v11 =	vmul.f32 v19, v11  }
0x12a: {  	v21 =	vsel vm6, v39, v41;
	v47 =	vsel vm7, v20, v45;
	v52 =	vmul.f32 v15, v48  }
0x12b: {  	v7 =	vadd.f32 v11, v7;
	v58 =	vshra.s32 v18, $0x17;
	v23 =	vand.u32 $0x7FFFFFFF, v49  }
0x12c: {  	v13 =	vsel vm10, v13, v14;
	v51 =	vmul.f32 $5.000000000e-01, v23;
	v55 =	vadd.f32 $3.333333430e-01, v52  }
0x12d: {  	v57 =	vadd.f32 v21, v22;
	v11 =	vadd.s32 $0xFFFFFF81, v58;
	v12 =	vsel vm11, v12, v13  }
0x12e: {  	v54 =	vadd.f32 $-5.000000000e-01, v23;
	v53 =	vmul.f32 v51, v23;
	v13 =	vmul.f32 v55, v48  }
0x12f: {  	v11 =	vcvt.s32.f32 v11;
	vm12 =	vlt.f32 v23, $1.000000000e+00;
	v15 =	vadd.f32 v47, v57  }
0x130: {  	v60 =	vadd.f32 v17, v17;
	v56 =	vsel vm12, v53, v54;
	v59 =	vadd.f32 $1.000000000e+00, v13  }
0x131: {  	vm15 =	veq.s32 v6, $0x14;
	vm14 =	vgt.s32 v6, $0x0;
	v14 =	vadd.f32 v56, v15  }
.Ltmp1:
0x132: {  	v62 =	vsel vm14, $0x3F800000, v0;
	v6 =	vmul.f32 $6.931471820e-01, v11;
	v61 =	vmul.f32 v59, v60;
	(pc) =	sbr.rel @!p0 .LBB2_2-.Ltmp1, $4  }
0x133: {  	v7 =	vadd.f32 v7, v2;
	v10 =	vsel vm13, v10, v12;
	v2 =	vmul.f32 v14, v62  }
0x134: {  	v8 =	vsel vm1, v8, v10;
	v63 =	vadd.f32 v61, v6  }
0x135: {  	v4 =	vadd.f32 v62, v4;
	v8 =	vsel vm15, v9, v8;
	v2 =	vadd.f32 v2, v5  }
0x136: {  	p1 =	por $0x1, $0x1;
	s21 =	simm.s32 $0xB;
	v6 =	vadd.f32 v8, v3;
	v3 =	vadd.f32 v63, v7  }
0x137: {  	[tilespmem:$0x10900] =	vst v4  }
0x138: {  	[tilespmem:$0x10980] =	vst v2;
	s20 =	sadd.s32 $0x1, s20  }
0x139: {  	[tilespmem:$0x10800] =	vst v3;
	p0 =	sne.s32 s20, s11  }
.Ltmp2:
0x13a: {  	[tilespmem:$0x10880] =	vst v6;
	(pc) =	sbr.rel @p0 .LBB2_1-.Ltmp2, $4  }
0x13b: {  	[hbm4b:s10+s2] =	stream.linear.scatter [tilespmem:s19], [sflag:$0x1], $0x200, $0x38;
	[tilespmem:$0x10A00] =	vst v63  }
0x13c: {  	_ =	swait.ge [sflag:s14], $0x200  }
0x13d: {  	[sflag:s14] =	ssyncset.done $0x0  }
0x13e: {  	[sflag:s14] =	ssyncadd.s32 $0xFFFFFE00  }
0x13f: {  	_ =	sfence.sel $0x180000  }
0x140: {  	[bflag:$0x0] =	sbarrier.arrive $0xFFFF  }
0x141: {  	p0 =	sne.s32 s1, $0x0;
	_ =	strace $0x90000047  }
0x142: {  	s0 =	sadd.s32 @!p0 $0x100000, s0;
	[bflag:$0x2] =	sbarrier.arrive $0xFFFF  }
0x143: {  	[sflag:s0] =	ssyncadd.tile.s32 @!p0 $0x1;
	_ =	shalt  }
.Lfunc_end2:
_tile_overlayer_lowered:
.L_overlay_start_2:
0x144: {  	(tag) =	ssettag $0x2  }
0x145: {  	s0 =	rddreg [dreg:$0x0];
	s2 =	stileid.u32  }
0x146: {  	s1 =	rddreg [dreg:$0x1];
	p0 =	sne.s32 s2, $0x0  }
0x147: {  	s3 =	rddreg [dreg:$0x2];
	[bflag:$0x3] =	sbarrier.arrive $0xFFFF;
	s2 =	simm.s32 @!p0 $0x1C01  }
0x148: {  	[timem:s3], [sflag:s2] =	dma.local @!p0 [hbm:s0], s1  }
0x149: {  	s0 =	simm.s32 @!p0 $0x1  }
0x14a: {  	_ =	swait.ge @!p0 [sflag:s0], s1  }
0x14b: {  	s1 =	ssub.s32 @!p0 $0x0, s1;
	[sflag:s0] =	ssyncset.done @!p0 $0x0  }
0x14c: {  	[sflag:s0] =	ssyncadd.s32 @!p0 s1  }
0x14d: {  	[bflag:$0x3] =	sbarrier.arrive $0xFFFF  }
0x14e: {  	_ =	shalt  }

</sc_bundles>
